<compile_context>
chip_gen: v7x
topology: tpu7x:2x2x1
jax: 0.10.2.dev20260603
libtpu: 0.0.44.dev20260713+nightly
codegen_flags: <defaults>
</compile_context>

<pallas_src>
import functools

import jax
import jax.numpy as jnp
from jax import lax
from jax.experimental import pallas as pl
from jax.experimental.pallas import tpu as pltpu
from jax.experimental.pallas import tpu_sc as plsc

N_FIELDS = 26
VOCAB1 = 100001
EMB = 64
BATCH = 4096
NW = 32
CHUNK = BATCH // NW
LANES = 16
NSLOT = 6

_mesh = plsc.VectorSubcoreMesh(core_axis_name="c", subcore_axis_name="s")


@functools.partial(
    pl.kernel,
    mesh=_mesh,
    compiler_params=pltpu.CompilerParams(needs_layout_passes=False),
    out_type=jax.ShapeDtypeStruct((N_FIELDS, BATCH, EMB), jnp.float32),
    scratch_types=[
        pltpu.VMEM((N_FIELDS, CHUNK), jnp.int32),
        pltpu.VMEM((NSLOT, CHUNK, EMB), jnp.float32),
        pltpu.SemaphoreType.DMA((NSLOT,)),
        pltpu.SemaphoreType.DMA((NSLOT,)),
    ],
)
def _gather_kernel(xs_hbm, tab_hbm, out_hbm, idx2_v, rows8_v, gsem, wsem):
    wid = lax.axis_index("s") * 2 + lax.axis_index("c")
    col0 = wid * CHUNK
    lane_iota = lax.iota(jnp.int32, LANES)

    pltpu.sync_copy(xs_hbm.at[:, pl.ds(col0, CHUNK)], idx2_v)

    def issue_chunk(f, slot):
        tab_f = tab_hbm.at[f]

        def grp(g, c):
            v16 = idx2_v[f, pl.ds(g * LANES, LANES)]
            for l in range(LANES):
                r = jnp.sum(jnp.where(lane_iota == l, v16, 0))
                pltpu.make_async_copy(
                    tab_f.at[pl.ds(r, 1)],
                    rows8_v.at[slot, pl.ds(g * LANES + l, 1)],
                    gsem.at[slot],
                ).start()
            return c

        lax.fori_loop(0, CHUNK // LANES, grp, 0)

    def drain_and_wb(g, slot):
        pltpu.make_async_copy(
            tab_hbm.at[0].at[pl.ds(0, CHUNK)], rows8_v.at[slot], gsem.at[slot]
        ).wait()
        pltpu.make_async_copy(
            rows8_v.at[slot], out_hbm.at[g, pl.ds(col0, CHUNK)], wsem.at[slot]
        ).start()

    def body(f, carry):
        slot = lax.rem(f, NSLOT)

        @pl.when(f >= NSLOT)
        def _():
            pltpu.make_async_copy(
                rows8_v.at[slot],
                out_hbm.at[f - NSLOT, pl.ds(col0, CHUNK)],
                wsem.at[slot],
            ).wait()

        issue_chunk(f, slot)

        @pl.when(f >= 3)
        def _():
            g = f - 3
            drain_and_wb(g, lax.rem(g, NSLOT))

        return carry

    lax.fori_loop(0, N_FIELDS, body, 0)

    def tail(t, carry):
        g = N_FIELDS - 3 + t
        drain_and_wb(g, lax.rem(g, NSLOT))
        return carry

    lax.fori_loop(0, 3, tail, 0)

    def tail_wb(t, carry):
        g = N_FIELDS - NSLOT + t
        slot = lax.rem(g, NSLOT)
        pltpu.make_async_copy(
            rows8_v.at[slot], out_hbm.at[g, pl.ds(col0, CHUNK)], wsem.at[slot]
        ).wait()
        return carry

    lax.fori_loop(0, NSLOT, tail_wb, 0)


def kernel(xs, W):
    return _gather_kernel(xs, W)

# --- scband reference (transcript-rebuilt; emitter-appended) ---
"""Pipeline reference for scband-cat-embedding-block-59236188946852 (READ-ONLY COPY).

The authoritative reference and input builder live on the scoring server;
editing this copy changes nothing except your own understanding.
"""

import jax, jax.numpy as jnp
import numpy as np

N_FIELDS = 26
VOCAB = 100000
EMB_DIM = 64
BATCH = 4096

def setup_inputs(seed: int = 0) -> dict:
    key = jax.random.key(seed)
    k1, k2 = jax.random.split(key)
    # xs iterated over dim 0 in the torch forward -> one index row per field
    xs = jax.random.randint(k1, (N_FIELDS, BATCH), 0, VOCAB, dtype=jnp.int32)
    # Per-field embedding tables of shape (vocab + 1, emb_dim), xavier-uniform init
    fan_in, fan_out = VOCAB + 1, EMB_DIM
    bound = float(np.sqrt(6.0 / (fan_in + fan_out)))
    W = jax.random.uniform(k2, (N_FIELDS, VOCAB + 1, EMB_DIM), minval=-bound, maxval=bound, dtype=jnp.float32)
    return {"xs": xs, "W": W}

def reference(xs, W):
    # forward: [emb(x) for x, emb in zip(xs, self.embs)] -> stacked as [n_fields, batch, emb_dim]
    return jax.vmap(lambda table, idx: jnp.take(table, idx, axis=0))(W, xs)

if __name__ == "__main__":
    import jax
    _d = setup_inputs()
    print(jax.jit(kernel)(*tuple(_d.values())))

</pallas_src>

<mosaic_0001>
#map = affine_map<(d0, d1) -> (0, 0)>
#map1 = affine_map<(d0, d1) -> (0, 0, 0)>
module attributes {stable_mosaic.version = 14 : i64} {
  func.func @_gather_kernel(%arg0: i32, %arg1: i32, %arg2: memref<26x4096xi32, #tpu.memory_space<hbm>>, %arg3: memref<26x100001x64xf32, #tpu.memory_space<hbm>>, %arg4: memref<26x4096x64xf32, #tpu.memory_space<hbm>>, %arg5: memref<26x128xi32, #tpu.memory_space<vmem>>, %arg6: memref<6x128x64xf32, #tpu.memory_space<vmem>>, %arg7: memref<6x!tpu.dma_semaphore, #tpu.memory_space<semaphore_mem>>, %arg8: memref<6x!tpu.dma_semaphore, #tpu.memory_space<semaphore_mem>>) attributes {dimension_semantics = [#tpu.dimension_semantics<core_parallel>, #tpu.dimension_semantics<subcore_parallel>], iteration_bounds = array<i64: 2, 16>, scalar_prefetch = 0 : i64, scratch_operands = 4 : i64, tpu.core_type = #tpu.core_type<sc_vector_subcore>, window_params = [{transform_indices = #map}, {transform_indices = #map1}, {transform_indices = #map1}]} {
    %mul3A = arith.constant 2 : i32
    %mul3A_0 = arith.muli %arg1, %mul3A : i32
    %add3A = arith.addi %mul3A_0, %arg0 : i32
    %mul3A_1 = arith.constant 128 : i32
    %mul3A_2 = arith.muli %add3A, %mul3A_1 : i32
    %iota3A = tpu.iota {dimensions = array<i32: 0>} : vector<16xi32>
    "tpu.region"() ({
      %run_scoped3A = tpu.sem_alloc : memref<!tpu.dma_semaphore, #tpu.memory_space<semaphore_mem>>
      %dma_start3A = arith.constant 0 : i32
      %dma_start3A_20 = tpu.memref_slice %arg2[%dma_start3A, %mul3A_2] : memref<26x4096xi32, #tpu.memory_space<hbm>> -> memref<26x128xi32, #tpu.memory_space<hbm>>
      %dma_start3A_21 = arith.constant 0 : i32
      %dma_start3A_22 = tpu.memref_slice %arg2[%dma_start3A_21, %mul3A_2] : memref<26x4096xi32, #tpu.memory_space<hbm>> -> memref<26x128xi32, #tpu.memory_space<hbm>>
      tpu.enqueue_dma source(%dma_start3A_22 : memref<26x128xi32, #tpu.memory_space<hbm>>) target(%arg5 : memref<26x128xi32, #tpu.memory_space<vmem>>) target_semaphore(%run_scoped3A : memref<!tpu.dma_semaphore, #tpu.memory_space<semaphore_mem>>)
      %dma_wait3A = arith.constant 0 : i32
      %dma_wait3A_23 = tpu.memref_slice %arg2[%dma_wait3A, %mul3A_2] : memref<26x4096xi32, #tpu.memory_space<hbm>> -> memref<26x128xi32, #tpu.memory_space<hbm>>
      %dma_wait3A_24 = arith.constant 0 : i32
      %dma_wait3A_25 = tpu.memref_slice %arg2[%dma_wait3A_24, %mul3A_2] : memref<26x4096xi32, #tpu.memory_space<hbm>> -> memref<26x128xi32, #tpu.memory_space<hbm>>
      tpu.wait_dma2 semaphore(%run_scoped3A : memref<!tpu.dma_semaphore, #tpu.memory_space<semaphore_mem>>) src(%dma_wait3A_25 : memref<26x128xi32, #tpu.memory_space<hbm>>) dst(%arg5 : memref<26x128xi32, #tpu.memory_space<vmem>>)
      tpu.yield
    }) : () -> ()
    %scan3A = arith.constant 0 : i32
    %scan3A_3 = arith.constant 0 : i32
    %scan3A_4 = arith.constant 26 : i32
    %scan3A_5 = arith.addi %scan3A_3, %scan3A_4 : i32
    %scan3A_6 = arith.constant 1 : i32
    scf.for %scan3A_20 = %scan3A_3 to %scan3A_5 step %scan3A_6  : i32 {
      %rem3A = arith.constant 6 : i32
      %rem3A_21 = arith.remsi %scan3A_20, %rem3A : i32
      %ge3A = arith.constant 6 : i32
      %ge3A_22 = arith.cmpi sge, %scan3A_20, %ge3A : i32
      %convert_element_type3A = arith.extui %ge3A_22 : i1 to i32
      %cond3A = arith.constant 0 : i32
      %cond3A_23 = arith.cmpi ne, %convert_element_type3A, %cond3A : i32
      scf.if %cond3A_23 {
        %sub3A = arith.constant 6 : i32
        %sub3A_35 = arith.subi %scan3A_20, %sub3A : i32
        %dma_wait3A = arith.constant 0 : i32
        %dma_wait3A_36 = arith.constant 0 : i32
        %dma_wait3A_37 = tpu.memref_slice %arg6[%rem3A_21, %dma_wait3A, %dma_wait3A_36] : memref<6x128x64xf32, #tpu.memory_space<vmem>> -> memref<1x128x64xf32, #tpu.memory_space<vmem>>
        %dma_wait3A_38 = tpu.memref_squeeze %dma_wait3A_37 : memref<1x128x64xf32, #tpu.memory_space<vmem>> -> memref<128x64xf32, #tpu.memory_space<vmem>>
        %dma_wait3A_39 = arith.constant 0 : i32
        %dma_wait3A_40 = tpu.memref_slice %arg4[%sub3A_35, %mul3A_2, %dma_wait3A_39] : memref<26x4096x64xf32, #tpu.memory_space<hbm>> -> memref<1x128x64xf32, #tpu.memory_space<hbm>>
        %dma_wait3A_41 = tpu.memref_squeeze %dma_wait3A_40 : memref<1x128x64xf32, #tpu.memory_space<hbm>> -> memref<128x64xf32, #tpu.memory_space<hbm>>
        %dma_wait3A_42 = tpu.memref_slice %arg8[%rem3A_21] : memref<6x!tpu.dma_semaphore, #tpu.memory_space<semaphore_mem>> -> memref<1x!tpu.dma_semaphore, #tpu.memory_space<semaphore_mem>>
        %dma_wait3A_43 = tpu.memref_squeeze %dma_wait3A_42 : memref<1x!tpu.dma_semaphore, #tpu.memory_space<semaphore_mem>> -> memref<!tpu.dma_semaphore, #tpu.memory_space<semaphore_mem>>
        %dma_wait3A_44 = arith.constant 0 : i32
        %dma_wait3A_45 = tpu.memref_slice %arg4[%sub3A_35, %mul3A_2, %dma_wait3A_44] : memref<26x4096x64xf32, #tpu.memory_space<hbm>> -> memref<1x128x64xf32, #tpu.memory_space<hbm>>
        %dma_wait3A_46 = tpu.memref_squeeze %dma_wait3A_45 : memref<1x128x64xf32, #tpu.memory_space<hbm>> -> memref<128x64xf32, #tpu.memory_space<hbm>>
        %dma_wait3A_47 = arith.constant 0 : i32
        %dma_wait3A_48 = arith.constant 0 : i32
        %dma_wait3A_49 = tpu.memref_slice %arg6[%rem3A_21, %dma_wait3A_47, %dma_wait3A_48] : memref<6x128x64xf32, #tpu.memory_space<vmem>> -> memref<1x128x64xf32, #tpu.memory_space<vmem>>
        %dma_wait3A_50 = tpu.memref_squeeze %dma_wait3A_49 : memref<1x128x64xf32, #tpu.memory_space<vmem>> -> memref<128x64xf32, #tpu.memory_space<vmem>>
        tpu.wait_dma2 semaphore(%dma_wait3A_43 : memref<!tpu.dma_semaphore, #tpu.memory_space<semaphore_mem>>) src(%dma_wait3A_50 : memref<128x64xf32, #tpu.memory_space<vmem>>) dst(%dma_wait3A_46 : memref<128x64xf32, #tpu.memory_space<hbm>>)
      } else {
      }
      %scan3A_24 = arith.constant 0 : i32
      %scan3A_25 = arith.constant 0 : i32
      %scan3A_26 = arith.constant 8 : i32
      %scan3A_27 = arith.addi %scan3A_25, %scan3A_26 : i32
      %scan3A_28 = arith.constant 1 : i32
      scf.for %scan3A_35 = %scan3A_25 to %scan3A_27 step %scan3A_28  : i32 {
        %mul3A_36 = arith.constant 16 : i32
        %mul3A_37 = arith.muli %scan3A_35, %mul3A_36 : i32
        %get3A = arith.index_cast %scan3A_20 : i32 to index
        %get3A_38 = arith.index_cast %mul3A_37 : i32 to index
        %get3A_39 = tpu.vector_load %arg5[%get3A, %get3A_38] {strides = array<i32>} : memref<26x128xi32, #tpu.memory_space<vmem>>, vector<16xi32>,
        %eq3A = arith.constant 0 : i32
        %eq3A_40 = vector.broadcast %eq3A : i32 to vector<16xi32>
        %eq3A_41 = arith.cmpi eq, %iota3A, %eq3A_40 : vector<16xi32>
        %jit3A = arith.constant 0 : i32
        %broadcast_in_dim3A = vector.broadcast %jit3A : i32 to vector<16xi32>
        %select_n3A = arith.select %eq3A_41, %get3A_39, %broadcast_in_dim3A : vector<16xi1>, vector<16xi32>
        %reduce_sum3A = arith.constant true
        %reduce_sum3A_42 = vector.broadcast %reduce_sum3A : i1 to vector<16xi1>
        %reduce_sum3A_43 = tpu.scan <sum>, %select_n3A masked %reduce_sum3A_42 : vector<16xi32>, vector<16xi1> -> vector<16xi32>
        %reduce_sum3A_44 = vector.extract %reduce_sum3A_43[15] : i32 from vector<16xi32>
        %mul3A_45 = arith.constant 16 : i32
        %mul3A_46 = arith.muli %scan3A_35, %mul3A_45 : i32
        %add3A_47 = arith.constant 0 : i32
        %add3A_48 = arith.addi %mul3A_46, %add3A_47 : i32
        %dma_start3A = arith.constant 0 : i32
        %dma_start3A_49 = tpu.memref_slice %arg6[%rem3A_21, %add3A_48, %dma_start3A] : memref<6x128x64xf32, #tpu.memory_space<vmem>> -> memref<1x1x64xf32, #tpu.memory_space<vmem>>
        %dma_start3A_50 = tpu.memref_squeeze %dma_start3A_49 : memref<1x1x64xf32, #tpu.memory_space<vmem>> -> memref<1x64xf32, #tpu.memory_space<vmem>>
        %dma_start3A_51 = arith.constant 0 : i32
        %dma_start3A_52 = arith.constant 0 : i32
        %dma_start3A_53 = tpu.memref_slice %arg3[%scan3A_20, %dma_start3A_51, %dma_start3A_52] : memref<26x100001x64xf32, #tpu.memory_space<hbm>> -> memref<1x100001x64xf32, #tpu.memory_space<hbm>>
        %dma_start3A_54 = tpu.memref_squeeze %dma_start3A_53 : memref<1x100001x64xf32, #tpu.memory_space<hbm>> -> memref<100001x64xf32, #tpu.memory_space<hbm>>
        %dma_start3A_55 = arith.constant 0 : i32
        %dma_start3A_56 = tpu.memref_slice %dma_start3A_54[%reduce_sum3A_44, %dma_start3A_55] : memref<100001x64xf32, #tpu.memory_space<hbm>> -> memref<1x64xf32, #tpu.memory_space<hbm>>
        %dma_start3A_57 = tpu.memref_slice %arg7[%rem3A_21] : memref<6x!tpu.dma_semaphore, #tpu.memory_space<semaphore_mem>> -> memref<1x!tpu.dma_semaphore, #tpu.memory_space<semaphore_mem>>
        %dma_start3A_58 = tpu.memref_squeeze %dma_start3A_57 : memref<1x!tpu.dma_semaphore, #tpu.memory_space<semaphore_mem>> -> memref<!tpu.dma_semaphore, #tpu.memory_space<semaphore_mem>>
        %dma_start3A_59 = arith.constant 0 : i32
        %dma_start3A_60 = tpu.memref_slice %arg6[%rem3A_21, %add3A_48, %dma_start3A_59] : memref<6x128x64xf32, #tpu.memory_space<vmem>> -> memref<1x1x64xf32, #tpu.memory_space<vmem>>
        %dma_start3A_61 = tpu.memref_squeeze %dma_start3A_60 : memref<1x1x64xf32, #tpu.memory_space<vmem>> -> memref<1x64xf32, #tpu.memory_space<vmem>>
        %dma_start3A_62 = arith.constant 0 : i32
        %dma_start3A_63 = arith.constant 0 : i32
        %dma_start3A_64 = tpu.memref_slice %arg3[%scan3A_20, %dma_start3A_62, %dma_start3A_63] : memref<26x100001x64xf32, #tpu.memory_space<hbm>> -> memref<1x100001x64xf32, #tpu.memory_space<hbm>>
        %dma_start3A_65 = tpu.memref_squeeze %dma_start3A_64 : memref<1x100001x64xf32, #tpu.memory_space<hbm>> -> memref<100001x64xf32, #tpu.memory_space<hbm>>
        %dma_start3A_66 = arith.constant 0 : i32
        %dma_start3A_67 = tpu.memref_slice %dma_start3A_65[%reduce_sum3A_44, %dma_start3A_66] : memref<100001x64xf32, #tpu.memory_space<hbm>> -> memref<1x64xf32, #tpu.memory_space<hbm>>
        tpu.enqueue_dma source(%dma_start3A_67 : memref<1x64xf32, #tpu.memory_space<hbm>>) target(%dma_start3A_61 : memref<1x64xf32, #tpu.memory_space<vmem>>) target_semaphore(%dma_start3A_58 : memref<!tpu.dma_semaphore, #tpu.memory_space<semaphore_mem>>)
        %eq3A_68 = arith.constant 1 : i32
        %eq3A_69 = vector.broadcast %eq3A_68 : i32 to vector<16xi32>
        %eq3A_70 = arith.cmpi eq, %iota3A, %eq3A_69 : vector<16xi32>
        %jit3A_71 = arith.constant 0 : i32
        %broadcast_in_dim3A_72 = vector.broadcast %jit3A_71 : i32 to vector<16xi32>
        %select_n3A_73 = arith.select %eq3A_70, %get3A_39, %broadcast_in_dim3A_72 : vector<16xi1>, vector<16xi32>
        %reduce_sum3A_74 = arith.constant true
        %reduce_sum3A_75 = vector.broadcast %reduce_sum3A_74 : i1 to vector<16xi1>
        %reduce_sum3A_76 = tpu.scan <sum>, %select_n3A_73 masked %reduce_sum3A_75 : vector<16xi32>, vector<16xi1> -> vector<16xi32>
        %reduce_sum3A_77 = vector.extract %reduce_sum3A_76[15] : i32 from vector<16xi32>
        %mul3A_78 = arith.constant 16 : i32
        %mul3A_79 = arith.muli %scan3A_35, %mul3A_78 : i32
        %add3A_80 = arith.constant 1 : i32
        %add3A_81 = arith.addi %mul3A_79, %add3A_80 : i32
        %dma_start3A_82 = arith.constant 0 : i32
        %dma_start3A_83 = tpu.memref_slice %arg6[%rem3A_21, %add3A_81, %dma_start3A_82] : memref<6x128x64xf32, #tpu.memory_space<vmem>> -> memref<1x1x64xf32, #tpu.memory_space<vmem>>
        %dma_start3A_84 = tpu.memref_squeeze %dma_start3A_83 : memref<1x1x64xf32, #tpu.memory_space<vmem>> -> memref<1x64xf32, #tpu.memory_space<vmem>>
        %dma_start3A_85 = arith.constant 0 : i32
        %dma_start3A_86 = arith.constant 0 : i32
        %dma_start3A_87 = tpu.memref_slice %arg3[%scan3A_20, %dma_start3A_85, %dma_start3A_86] : memref<26x100001x64xf32, #tpu.memory_space<hbm>> -> memref<1x100001x64xf32, #tpu.memory_space<hbm>>
        %dma_start3A_88 = tpu.memref_squeeze %dma_start3A_87 : memref<1x100001x64xf32, #tpu.memory_space<hbm>> -> memref<100001x64xf32, #tpu.memory_space<hbm>>
        %dma_start3A_89 = arith.constant 0 : i32
        %dma_start3A_90 = tpu.memref_slice %dma_start3A_88[%reduce_sum3A_77, %dma_start3A_89] : memref<100001x64xf32, #tpu.memory_space<hbm>> -> memref<1x64xf32, #tpu.memory_space<hbm>>
        %dma_start3A_91 = tpu.memref_slice %arg7[%rem3A_21] : memref<6x!tpu.dma_semaphore, #tpu.memory_space<semaphore_mem>> -> memref<1x!tpu.dma_semaphore, #tpu.memory_space<semaphore_mem>>
        %dma_start3A_92 = tpu.memref_squeeze %dma_start3A_91 : memref<1x!tpu.dma_semaphore, #tpu.memory_space<semaphore_mem>> -> memref<!tpu.dma_semaphore, #tpu.memory_space<semaphore_mem>>
        %dma_start3A_93 = arith.constant 0 : i32
        %dma_start3A_94 = tpu.memref_slice %arg6[%rem3A_21, %add3A_81, %dma_start3A_93] : memref<6x128x64xf32, #tpu.memory_space<vmem>> -> memref<1x1x64xf32, #tpu.memory_space<vmem>>
        %dma_start3A_95 = tpu.memref_squeeze %dma_start3A_94 : memref<1x1x64xf32, #tpu.memory_space<vmem>> -> memref<1x64xf32, #tpu.memory_space<vmem>>
        %dma_start3A_96 = arith.constant 0 : i32
        %dma_start3A_97 = arith.constant 0 : i32
        %dma_start3A_98 = tpu.memref_slice %arg3[%scan3A_20, %dma_start3A_96, %dma_start3A_97] : memref<26x100001x64xf32, #tpu.memory_space<hbm>> -> memref<1x100001x64xf32, #tpu.memory_space<hbm>>
        %dma_start3A_99 = tpu.memref_squeeze %dma_start3A_98 : memref<1x100001x64xf32, #tpu.memory_space<hbm>> -> memref<100001x64xf32, #tpu.memory_space<hbm>>
        %dma_start3A_100 = arith.constant 0 : i32
        %dma_start3A_101 = tpu.memref_slice %dma_start3A_99[%reduce_sum3A_77, %dma_start3A_100] : memref<100001x64xf32, #tpu.memory_space<hbm>> -> memref<1x64xf32, #tpu.memory_space<hbm>>
        tpu.enqueue_dma source(%dma_start3A_101 : memref<1x64xf32, #tpu.memory_space<hbm>>) target(%dma_start3A_95 : memref<1x64xf32, #tpu.memory_space<vmem>>) target_semaphore(%dma_start3A_92 : memref<!tpu.dma_semaphore, #tpu.memory_space<semaphore_mem>>)
        %eq3A_102 = arith.constant 2 : i32
        %eq3A_103 = vector.broadcast %eq3A_102 : i32 to vector<16xi32>
        %eq3A_104 = arith.cmpi eq, %iota3A, %eq3A_103 : vector<16xi32>
        %jit3A_105 = arith.constant 0 : i32
        %broadcast_in_dim3A_106 = vector.broadcast %jit3A_105 : i32 to vector<16xi32>
        %select_n3A_107 = arith.select %eq3A_104, %get3A_39, %broadcast_in_dim3A_106 : vector<16xi1>, vector<16xi32>
        %reduce_sum3A_108 = arith.constant true
        %reduce_sum3A_109 = vector.broadcast %reduce_sum3A_108 : i1 to vector<16xi1>
        %reduce_sum3A_110 = tpu.scan <sum>, %select_n3A_107 masked %reduce_sum3A_109 : vector<16xi32>, vector<16xi1> -> vector<16xi32>
        %reduce_sum3A_111 = vector.extract %reduce_sum3A_110[15] : i32 from vector<16xi32>
        %mul3A_112 = arith.constant 16 : i32
        %mul3A_113 = arith.muli %scan3A_35, %mul3A_112 : i32
        %add3A_114 = arith.constant 2 : i32
        %add3A_115 = arith.addi %mul3A_113, %add3A_114 : i32
        %dma_start3A_116 = arith.constant 0 : i32
        %dma_start3A_117 = tpu.memref_slice %arg6[%rem3A_21, %add3A_115, %dma_start3A_116] : memref<6x128x64xf32, #tpu.memory_space<vmem>> -> memref<1x1x64xf32, #tpu.memory_space<vmem>>
        %dma_start3A_118 = tpu.memref_squeeze %dma_start3A_117 : memref<1x1x64xf32, #tpu.memory_space<vmem>> -> memref<1x64xf32, #tpu.memory_space<vmem>>
        %dma_start3A_119 = arith.constant 0 : i32
        %dma_start3A_120 = arith.constant 0 : i32
        %dma_start3A_121 = tpu.memref_slice %arg3[%scan3A_20, %dma_start3A_119, %dma_start3A_120] : memref<26x100001x64xf32, #tpu.memory_space<hbm>> -> memref<1x100001x64xf32, #tpu.memory_space<hbm>>
        %dma_start3A_122 = tpu.memref_squeeze %dma_start3A_121 : memref<1x100001x64xf32, #tpu.memory_space<hbm>> -> memref<100001x64xf32, #tpu.memory_space<hbm>>
        %dma_start3A_123 = arith.constant 0 : i32
        %dma_start3A_124 = tpu.memref_slice %dma_start3A_122[%reduce_sum3A_111, %dma_start3A_123] : memref<100001x64xf32, #tpu.memory_space<hbm>> -> memref<1x64xf32, #tpu.memory_space<hbm>>
        %dma_start3A_125 = tpu.memref_slice %arg7[%rem3A_21] : memref<6x!tpu.dma_semaphore, #tpu.memory_space<semaphore_mem>> -> memref<1x!tpu.dma_semaphore, #tpu.memory_space<semaphore_mem>>
        %dma_start3A_126 = tpu.memref_squeeze %dma_start3A_125 : memref<1x!tpu.dma_semaphore, #tpu.memory_space<semaphore_mem>> -> memref<!tpu.dma_semaphore, #tpu.memory_space<semaphore_mem>>
        %dma_start3A_127 = arith.constant 0 : i32
        %dma_start3A_128 = tpu.memref_slice %arg6[%rem3A_21, %add3A_115, %dma_start3A_127] : memref<6x128x64xf32, #tpu.memory_space<vmem>> -> memref<1x1x64xf32, #tpu.memory_space<vmem>>
        %dma_start3A_129 = tpu.memref_squeeze %dma_start3A_128 : memref<1x1x64xf32, #tpu.memory_space<vmem>> -> memref<1x64xf32, #tpu.memory_space<vmem>>
        %dma_start3A_130 = arith.constant 0 : i32
        %dma_start3A_131 = arith.constant 0 : i32
        %dma_start3A_132 = tpu.memref_slice %arg3[%scan3A_20, %dma_start3A_130, %dma_start3A_131] : memref<26x100001x64xf32, #tpu.memory_space<hbm>> -> memref<1x100001x64xf32, #tpu.memory_space<hbm>>
        %dma_start3A_133 = tpu.memref_squeeze %dma_start3A_132 : memref<1x100001x64xf32, #tpu.memory_space<hbm>> -> memref<100001x64xf32, #tpu.memory_space<hbm>>
        %dma_start3A_134 = arith.constant 0 : i32
        %dma_start3A_135 = tpu.memref_slice %dma_start3A_133[%reduce_sum3A_111, %dma_start3A_134] : memref<100001x64xf32, #tpu.memory_space<hbm>> -> memref<1x64xf32, #tpu.memory_space<hbm>>
        tpu.enqueue_dma source(%dma_start3A_135 : memref<1x64xf32, #tpu.memory_space<hbm>>) target(%dma_start3A_129 : memref<1x64xf32, #tpu.memory_space<vmem>>) target_semaphore(%dma_start3A_126 : memref<!tpu.dma_semaphore, #tpu.memory_space<semaphore_mem>>)
        %eq3A_136 = arith.constant 3 : i32
        %eq3A_137 = vector.broadcast %eq3A_136 : i32 to vector<16xi32>
        %eq3A_138 = arith.cmpi eq, %iota3A, %eq3A_137 : vector<16xi32>
        %jit3A_139 = arith.constant 0 : i32
        %broadcast_in_dim3A_140 = vector.broadcast %jit3A_139 : i32 to vector<16xi32>
        %select_n3A_141 = arith.select %eq3A_138, %get3A_39, %broadcast_in_dim3A_140 : vector<16xi1>, vector<16xi32>
        %reduce_sum3A_142 = arith.constant true
        %reduce_sum3A_143 = vector.broadcast %reduce_sum3A_142 : i1 to vector<16xi1>
        %reduce_sum3A_144 = tpu.scan <sum>, %select_n3A_141 masked %reduce_sum3A_143 : vector<16xi32>, vector<16xi1> -> vector<16xi32>
        %reduce_sum3A_145 = vector.extract %reduce_sum3A_144[15] : i32 from vector<16xi32>
        %mul3A_146 = arith.constant 16 : i32
        %mul3A_147 = arith.muli %scan3A_35, %mul3A_146 : i32
        %add3A_148 = arith.constant 3 : i32
        %add3A_149 = arith.addi %mul3A_147, %add3A_148 : i32
        %dma_start3A_150 = arith.constant 0 : i32
        %dma_start3A_151 = tpu.memref_slice %arg6[%rem3A_21, %add3A_149, %dma_start3A_150] : memref<6x128x64xf32, #tpu.memory_space<vmem>> -> memref<1x1x64xf32, #tpu.memory_space<vmem>>
        %dma_start3A_152 = tpu.memref_squeeze %dma_start3A_151 : memref<1x1x64xf32, #tpu.memory_space<vmem>> -> memref<1x64xf32, #tpu.memory_space<vmem>>
        %dma_start3A_153 = arith.constant 0 : i32
        %dma_start3A_154 = arith.constant 0 : i32
        %dma_start3A_155 = tpu.memref_slice %arg3[%scan3A_20, %dma_start3A_153, %dma_start3A_154] : memref<26x100001x64xf32, #tpu.memory_space<hbm>> -> memref<1x100001x64xf32, #tpu.memory_space<hbm>>
        %dma_start3A_156 = tpu.memref_squeeze %dma_start3A_155 : memref<1x100001x64xf32, #tpu.memory_space<hbm>> -> memref<100001x64xf32, #tpu.memory_space<hbm>>
        %dma_start3A_157 = arith.constant 0 : i32
        %dma_start3A_158 = tpu.memref_slice %dma_start3A_156[%reduce_sum3A_145, %dma_start3A_157] : memref<100001x64xf32, #tpu.memory_space<hbm>> -> memref<1x64xf32, #tpu.memory_space<hbm>>
        %dma_start3A_159 = tpu.memref_slice %arg7[%rem3A_21] : memref<6x!tpu.dma_semaphore, #tpu.memory_space<semaphore_mem>> -> memref<1x!tpu.dma_semaphore, #tpu.memory_space<semaphore_mem>>
        %dma_start3A_160 = tpu.memref_squeeze %dma_start3A_159 : memref<1x!tpu.dma_semaphore, #tpu.memory_space<semaphore_mem>> -> memref<!tpu.dma_semaphore, #tpu.memory_space<semaphore_mem>>
        %dma_start3A_161 = arith.constant 0 : i32
        %dma_start3A_162 = tpu.memref_slice %arg6[%rem3A_21, %add3A_149, %dma_start3A_161] : memref<6x128x64xf32, #tpu.memory_space<vmem>> -> memref<1x1x64xf32, #tpu.memory_space<vmem>>
        %dma_start3A_163 = tpu.memref_squeeze %dma_start3A_162 : memref<1x1x64xf32, #tpu.memory_space<vmem>> -> memref<1x64xf32, #tpu.memory_space<vmem>>
        %dma_start3A_164 = arith.constant 0 : i32
        %dma_start3A_165 = arith.constant 0 : i32
        %dma_start3A_166 = tpu.memref_slice %arg3[%scan3A_20, %dma_start3A_164, %dma_start3A_165] : memref<26x100001x64xf32, #tpu.memory_space<hbm>> -> memref<1x100001x64xf32, #tpu.memory_space<hbm>>
        %dma_start3A_167 = tpu.memref_squeeze %dma_start3A_166 : memref<1x100001x64xf32, #tpu.memory_space<hbm>> -> memref<100001x64xf32, #tpu.memory_space<hbm>>
        %dma_start3A_168 = arith.constant 0 : i32
        %dma_start3A_169 = tpu.memref_slice %dma_start3A_167[%reduce_sum3A_145, %dma_start3A_168] : memref<100001x64xf32, #tpu.memory_space<hbm>> -> memref<1x64xf32, #tpu.memory_space<hbm>>
        tpu.enqueue_dma source(%dma_start3A_169 : memref<1x64xf32, #tpu.memory_space<hbm>>) target(%dma_start3A_163 : memref<1x64xf32, #tpu.memory_space<vmem>>) target_semaphore(%dma_start3A_160 : memref<!tpu.dma_semaphore, #tpu.memory_space<semaphore_mem>>)
        %eq3A_170 = arith.constant 4 : i32
        %eq3A_171 = vector.broadcast %eq3A_170 : i32 to vector<16xi32>
        %eq3A_172 = arith.cmpi eq, %iota3A, %eq3A_171 : vector<16xi32>
        %jit3A_173 = arith.constant 0 : i32
        %broadcast_in_dim3A_174 = vector.broadcast %jit3A_173 : i32 to vector<16xi32>
        %select_n3A_175 = arith.select %eq3A_172, %get3A_39, %broadcast_in_dim3A_174 : vector<16xi1>, vector<16xi32>
        %reduce_sum3A_176 = arith.constant true
        %reduce_sum3A_177 = vector.broadcast %reduce_sum3A_176 : i1 to vector<16xi1>
        %reduce_sum3A_178 = tpu.scan <sum>, %select_n3A_175 masked %reduce_sum3A_177 : vector<16xi32>, vector<16xi1> -> vector<16xi32>
        %reduce_sum3A_179 = vector.extract %reduce_sum3A_178[15] : i32 from vector<16xi32>
        %mul3A_180 = arith.constant 16 : i32
        %mul3A_181 = arith.muli %scan3A_35, %mul3A_180 : i32
        %add3A_182 = arith.constant 4 : i32
        %add3A_183 = arith.addi %mul3A_181, %add3A_182 : i32
        %dma_start3A_184 = arith.constant 0 : i32
        %dma_start3A_185 = tpu.memref_slice %arg6[%rem3A_21, %add3A_183, %dma_start3A_184] : memref<6x128x64xf32, #tpu.memory_space<vmem>> -> memref<1x1x64xf32, #tpu.memory_space<vmem>>
        %dma_start3A_186 = tpu.memref_squeeze %dma_start3A_185 : memref<1x1x64xf32, #tpu.memory_space<vmem>> -> memref<1x64xf32, #tpu.memory_space<vmem>>
        %dma_start3A_187 = arith.constant 0 : i32
        %dma_start3A_188 = arith.constant 0 : i32
        %dma_start3A_189 = tpu.memref_slice %arg3[%scan3A_20, %dma_start3A_187, %dma_start3A_188] : memref<26x100001x64xf32, #tpu.memory_space<hbm>> -> memref<1x100001x64xf32, #tpu.memory_space<hbm>>
        %dma_start3A_190 = tpu.memref_squeeze %dma_start3A_189 : memref<1x100001x64xf32, #tpu.memory_space<hbm>> -> memref<100001x64xf32, #tpu.memory_space<hbm>>
        %dma_start3A_191 = arith.constant 0 : i32
        %dma_start3A_192 = tpu.memref_slice %dma_start3A_190[%reduce_sum3A_179, %dma_start3A_191] : memref<100001x64xf32, #tpu.memory_space<hbm>> -> memref<1x64xf32, #tpu.memory_space<hbm>>
        %dma_start3A_193 = tpu.memref_slice %arg7[%rem3A_21] : memref<6x!tpu.dma_semaphore, #tpu.memory_space<semaphore_mem>> -> memref<1x!tpu.dma_semaphore, #tpu.memory_space<semaphore_mem>>
        %dma_start3A_194 = tpu.memref_squeeze %dma_start3A_193 : memref<1x!tpu.dma_semaphore, #tpu.memory_space<semaphore_mem>> -> memref<!tpu.dma_semaphore, #tpu.memory_space<semaphore_mem>>
        %dma_start3A_195 = arith.constant 0 : i32
        %dma_start3A_196 = tpu.memref_slice %arg6[%rem3A_21, %add3A_183, %dma_start3A_195] : memref<6x128x64xf32, #tpu.memory_space<vmem>> -> memref<1x1x64xf32, #tpu.memory_space<vmem>>
        %dma_start3A_197 = tpu.memref_squeeze %dma_start3A_196 : memref<1x1x64xf32, #tpu.memory_space<vmem>> -> memref<1x64xf32, #tpu.memory_space<vmem>>
        %dma_start3A_198 = arith.constant 0 : i32
        %dma_start3A_199 = arith.constant 0 : i32
        %dma_start3A_200 = tpu.memref_slice %arg3[%scan3A_20, %dma_start3A_198, %dma_start3A_199] : memref<26x100001x64xf32, #tpu.memory_space<hbm>> -> memref<1x100001x64xf32, #tpu.memory_space<hbm>>
        %dma_start3A_201 = tpu.memref_squeeze %dma_start3A_200 : memref<1x100001x64xf32, #tpu.memory_space<hbm>> -> memref<100001x64xf32, #tpu.memory_space<hbm>>
        %dma_start3A_202 = arith.constant 0 : i32
        %dma_start3A_203 = tpu.memref_slice %dma_start3A_201[%reduce_sum3A_179, %dma_start3A_202] : memref<100001x64xf32, #tpu.memory_space<hbm>> -> memref<1x64xf32, #tpu.memory_space<hbm>>
        tpu.enqueue_dma source(%dma_start3A_203 : memref<1x64xf32, #tpu.memory_space<hbm>>) target(%dma_start3A_197 : memref<1x64xf32, #tpu.memory_space<vmem>>) target_semaphore(%dma_start3A_194 : memref<!tpu.dma_semaphore, #tpu.memory_space<semaphore_mem>>)
        %eq3A_204 = arith.constant 5 : i32
        %eq3A_205 = vector.broadcast %eq3A_204 : i32 to vector<16xi32>
        %eq3A_206 = arith.cmpi eq, %iota3A, %eq3A_205 : vector<16xi32>
        %jit3A_207 = arith.constant 0 : i32
        %broadcast_in_dim3A_208 = vector.broadcast %jit3A_207 : i32 to vector<16xi32>
        %select_n3A_209 = arith.select %eq3A_206, %get3A_39, %broadcast_in_dim3A_208 : vector<16xi1>, vector<16xi32>
        %reduce_sum3A_210 = arith.constant true
        %reduce_sum3A_211 = vector.broadcast %reduce_sum3A_210 : i1 to vector<16xi1>
        %reduce_sum3A_212 = tpu.scan <sum>, %select_n3A_209 masked %reduce_sum3A_211 : vector<16xi32>, vector<16xi1> -> vector<16xi32>
        %reduce_sum3A_213 = vector.extract %reduce_sum3A_212[15] : i32 from vector<16xi32>
        %mul3A_214 = arith.constant 16 : i32
        %mul3A_215 = arith.muli %scan3A_35, %mul3A_214 : i32
        %add3A_216 = arith.constant 5 : i32
        %add3A_217 = arith.addi %mul3A_215, %add3A_216 : i32
        %dma_start3A_218 = arith.constant 0 : i32
        %dma_start3A_219 = tpu.memref_slice %arg6[%rem3A_21, %add3A_217, %dma_start3A_218] : memref<6x128x64xf32, #tpu.memory_space<vmem>> -> memref<1x1x64xf32, #tpu.memory_space<vmem>>
        %dma_start3A_220 = tpu.memref_squeeze %dma_start3A_219 : memref<1x1x64xf32, #tpu.memory_space<vmem>> -> memref<1x64xf32, #tpu.memory_space<vmem>>
        %dma_start3A_221 = arith.constant 0 : i32
        %dma_start3A_222 = arith.constant 0 : i32
        %dma_start3A_223 = tpu.memref_slice %arg3[%scan3A_20, %dma_start3A_221, %dma_start3A_222] : memref<26x100001x64xf32, #tpu.memory_space<hbm>> -> memref<1x100001x64xf32, #tpu.memory_space<hbm>>
        %dma_start3A_224 = tpu.memref_squeeze %dma_start3A_223 : memref<1x100001x64xf32, #tpu.memory_space<hbm>> -> memref<100001x64xf32, #tpu.memory_space<hbm>>
        %dma_start3A_225 = arith.constant 0 : i32
        %dma_start3A_226 = tpu.memref_slice %dma_start3A_224[%reduce_sum3A_213, %dma_start3A_225] : memref<100001x64xf32, #tpu.memory_space<hbm>> -> memref<1x64xf32, #tpu.memory_space<hbm>>
        %dma_start3A_227 = tpu.memref_slice %arg7[%rem3A_21] : memref<6x!tpu.dma_semaphore, #tpu.memory_space<semaphore_mem>> -> memref<1x!tpu.dma_semaphore, #tpu.memory_space<semaphore_mem>>
        %dma_start3A_228 = tpu.memref_squeeze %dma_start3A_227 : memref<1x!tpu.dma_semaphore, #tpu.memory_space<semaphore_mem>> -> memref<!tpu.dma_semaphore, #tpu.memory_space<semaphore_mem>>
        %dma_start3A_229 = arith.constant 0 : i32
        %dma_start3A_230 = tpu.memref_slice %arg6[%rem3A_21, %add3A_217, %dma_start3A_229] : memref<6x128x64xf32, #tpu.memory_space<vmem>> -> memref<1x1x64xf32, #tpu.memory_space<vmem>>
        %dma_start3A_231 = tpu.memref_squeeze %dma_start3A_230 : memref<1x1x64xf32, #tpu.memory_space<vmem>> -> memref<1x64xf32, #tpu.memory_space<vmem>>
        %dma_start3A_232 = arith.constant 0 : i32
        %dma_start3A_233 = arith.constant 0 : i32
        %dma_start3A_234 = tpu.memref_slice %arg3[%scan3A_20, %dma_start3A_232, %dma_start3A_233] : memref<26x100001x64xf32, #tpu.memory_space<hbm>> -> memref<1x100001x64xf32, #tpu.memory_space<hbm>>
        %dma_start3A_235 = tpu.memref_squeeze %dma_start3A_234 : memref<1x100001x64xf32, #tpu.memory_space<hbm>> -> memref<100001x64xf32, #tpu.memory_space<hbm>>
        %dma_start3A_236 = arith.constant 0 : i32
        %dma_start3A_237 = tpu.memref_slice %dma_start3A_235[%reduce_sum3A_213, %dma_start3A_236] : memref<100001x64xf32, #tpu.memory_space<hbm>> -> memref<1x64xf32, #tpu.memory_space<hbm>>
        tpu.enqueue_dma source(%dma_start3A_237 : memref<1x64xf32, #tpu.memory_space<hbm>>) target(%dma_start3A_231 : memref<1x64xf32, #tpu.memory_space<vmem>>) target_semaphore(%dma_start3A_228 : memref<!tpu.dma_semaphore, #tpu.memory_space<semaphore_mem>>)
        %eq3A_238 = arith.constant 6 : i32
        %eq3A_239 = vector.broadcast %eq3A_238 : i32 to vector<16xi32>
        %eq3A_240 = arith.cmpi eq, %iota3A, %eq3A_239 : vector<16xi32>
        %jit3A_241 = arith.constant 0 : i32
        %broadcast_in_dim3A_242 = vector.broadcast %jit3A_241 : i32 to vector<16xi32>
        %select_n3A_243 = arith.select %eq3A_240, %get3A_39, %broadcast_in_dim3A_242 : vector<16xi1>, vector<16xi32>
        %reduce_sum3A_244 = arith.constant true
        %reduce_sum3A_245 = vector.broadcast %reduce_sum3A_244 : i1 to vector<16xi1>
        %reduce_sum3A_246 = tpu.scan <sum>, %select_n3A_243 masked %reduce_sum3A_245 : vector<16xi32>, vector<16xi1> -> vector<16xi32>
        %reduce_sum3A_247 = vector.extract %reduce_sum3A_246[15] : i32 from vector<16xi32>
        %mul3A_248 = arith.constant 16 : i32
        %mul3A_249 = arith.muli %scan3A_35, %mul3A_248 : i32
        %add3A_250 = arith.constant 6 : i32
        %add3A_251 = arith.addi %mul3A_249, %add3A_250 : i32
        %dma_start3A_252 = arith.constant 0 : i32
        %dma_start3A_253 = tpu.memref_slice %arg6[%rem3A_21, %add3A_251, %dma_start3A_252] : memref<6x128x64xf32, #tpu.memory_space<vmem>> -> memref<1x1x64xf32, #tpu.memory_space<vmem>>
        %dma_start3A_254 = tpu.memref_squeeze %dma_start3A_253 : memref<1x1x64xf32, #tpu.memory_space<vmem>> -> memref<1x64xf32, #tpu.memory_space<vmem>>
        %dma_start3A_255 = arith.constant 0 : i32
        %dma_start3A_256 = arith.constant 0 : i32
        %dma_start3A_257 = tpu.memref_slice %arg3[%scan3A_20, %dma_start3A_255, %dma_start3A_256] : memref<26x100001x64xf32, #tpu.memory_space<hbm>> -> memref<1x100001x64xf32, #tpu.memory_space<hbm>>
        %dma_start3A_258 = tpu.memref_squeeze %dma_start3A_257 : memref<1x100001x64xf32, #tpu.memory_space<hbm>> -> memref<100001x64xf32, #tpu.memory_space<hbm>>
        %dma_start3A_259 = arith.constant 0 : i32
        %dma_start3A_260 = tpu.memref_slice %dma_start3A_258[%reduce_sum3A_247, %dma_start3A_259] : memref<100001x64xf32, #tpu.memory_space<hbm>> -> memref<1x64xf32, #tpu.memory_space<hbm>>
        %dma_start3A_261 = tpu.memref_slice %arg7[%rem3A_21] : memref<6x!tpu.dma_semaphore, #tpu.memory_space<semaphore_mem>> -> memref<1x!tpu.dma_semaphore, #tpu.memory_space<semaphore_mem>>
        %dma_start3A_262 = tpu.memref_squeeze %dma_start3A_261 : memref<1x!tpu.dma_semaphore, #tpu.memory_space<semaphore_mem>> -> memref<!tpu.dma_semaphore, #tpu.memory_space<semaphore_mem>>
        %dma_start3A_263 = arith.constant 0 : i32
        %dma_start3A_264 = tpu.memref_slice %arg6[%rem3A_21, %add3A_251, %dma_start3A_263] : memref<6x128x64xf32, #tpu.memory_space<vmem>> -> memref<1x1x64xf32, #tpu.memory_space<vmem>>
        %dma_start3A_265 = tpu.memref_squeeze %dma_start3A_264 : memref<1x1x64xf32, #tpu.memory_space<vmem>> -> memref<1x64xf32, #tpu.memory_space<vmem>>
        %dma_start3A_266 = arith.constant 0 : i32
        %dma_start3A_267 = arith.constant 0 : i32
        %dma_start3A_268 = tpu.memref_slice %arg3[%scan3A_20, %dma_start3A_266, %dma_start3A_267] : memref<26x100001x64xf32, #tpu.memory_space<hbm>> -> memref<1x100001x64xf32, #tpu.memory_space<hbm>>
        %dma_start3A_269 = tpu.memref_squeeze %dma_start3A_268 : memref<1x100001x64xf32, #tpu.memory_space<hbm>> -> memref<100001x64xf32, #tpu.memory_space<hbm>>
        %dma_start3A_270 = arith.constant 0 : i32
        %dma_start3A_271 = tpu.memref_slice %dma_start3A_269[%reduce_sum3A_247, %dma_start3A_270] : memref<100001x64xf32, #tpu.memory_space<hbm>> -> memref<1x64xf32, #tpu.memory_space<hbm>>
        tpu.enqueue_dma source(%dma_start3A_271 : memref<1x64xf32, #tpu.memory_space<hbm>>) target(%dma_start3A_265 : memref<1x64xf32, #tpu.memory_space<vmem>>) target_semaphore(%dma_start3A_262 : memref<!tpu.dma_semaphore, #tpu.memory_space<semaphore_mem>>)
        %eq3A_272 = arith.constant 7 : i32
        %eq3A_273 = vector.broadcast %eq3A_272 : i32 to vector<16xi32>
        %eq3A_274 = arith.cmpi eq, %iota3A, %eq3A_273 : vector<16xi32>
        %jit3A_275 = arith.constant 0 : i32
        %broadcast_in_dim3A_276 = vector.broadcast %jit3A_275 : i32 to vector<16xi32>
        %select_n3A_277 = arith.select %eq3A_274, %get3A_39, %broadcast_in_dim3A_276 : vector<16xi1>, vector<16xi32>
        %reduce_sum3A_278 = arith.constant true
        %reduce_sum3A_279 = vector.broadcast %reduce_sum3A_278 : i1 to vector<16xi1>
        %reduce_sum3A_280 = tpu.scan <sum>, %select_n3A_277 masked %reduce_sum3A_279 : vector<16xi32>, vector<16xi1> -> vector<16xi32>
        %reduce_sum3A_281 = vector.extract %reduce_sum3A_280[15] : i32 from vector<16xi32>
        %mul3A_282 = arith.constant 16 : i32
        %mul3A_283 = arith.muli %scan3A_35, %mul3A_282 : i32
        %add3A_284 = arith.constant 7 : i32
        %add3A_285 = arith.addi %mul3A_283, %add3A_284 : i32
        %dma_start3A_286 = arith.constant 0 : i32
        %dma_start3A_287 = tpu.memref_slice %arg6[%rem3A_21, %add3A_285, %dma_start3A_286] : memref<6x128x64xf32, #tpu.memory_space<vmem>> -> memref<1x1x64xf32, #tpu.memory_space<vmem>>
        %dma_start3A_288 = tpu.memref_squeeze %dma_start3A_287 : memref<1x1x64xf32, #tpu.memory_space<vmem>> -> memref<1x64xf32, #tpu.memory_space<vmem>>
        %dma_start3A_289 = arith.constant 0 : i32
        %dma_start3A_290 = arith.constant 0 : i32
        %dma_start3A_291 = tpu.memref_slice %arg3[%scan3A_20, %dma_start3A_289, %dma_start3A_290] : memref<26x100001x64xf32, #tpu.memory_space<hbm>> -> memref<1x100001x64xf32, #tpu.memory_space<hbm>>
        %dma_start3A_292 = tpu.memref_squeeze %dma_start3A_291 : memref<1x100001x64xf32, #tpu.memory_space<hbm>> -> memref<100001x64xf32, #tpu.memory_space<hbm>>
        %dma_start3A_293 = arith.constant 0 : i32
        %dma_start3A_294 = tpu.memref_slice %dma_start3A_292[%reduce_sum3A_281, %dma_start3A_293] : memref<100001x64xf32, #tpu.memory_space<hbm>> -> memref<1x64xf32, #tpu.memory_space<hbm>>
        %dma_start3A_295 = tpu.memref_slice %arg7[%rem3A_21] : memref<6x!tpu.dma_semaphore, #tpu.memory_space<semaphore_mem>> -> memref<1x!tpu.dma_semaphore, #tpu.memory_space<semaphore_mem>>
        %dma_start3A_296 = tpu.memref_squeeze %dma_start3A_295 : memref<1x!tpu.dma_semaphore, #tpu.memory_space<semaphore_mem>> -> memref<!tpu.dma_semaphore, #tpu.memory_space<semaphore_mem>>
        %dma_start3A_297 = arith.constant 0 : i32
        %dma_start3A_298 = tpu.memref_slice %arg6[%rem3A_21, %add3A_285, %dma_start3A_297] : memref<6x128x64xf32, #tpu.memory_space<vmem>> -> memref<1x1x64xf32, #tpu.memory_space<vmem>>
        %dma_start3A_299 = tpu.memref_squeeze %dma_start3A_298 : memref<1x1x64xf32, #tpu.memory_space<vmem>> -> memref<1x64xf32, #tpu.memory_space<vmem>>
        %dma_start3A_300 = arith.constant 0 : i32
        %dma_start3A_301 = arith.constant 0 : i32
        %dma_start3A_302 = tpu.memref_slice %arg3[%scan3A_20, %dma_start3A_300, %dma_start3A_301] : memref<26x100001x64xf32, #tpu.memory_space<hbm>> -> memref<1x100001x64xf32, #tpu.memory_space<hbm>>
        %dma_start3A_303 = tpu.memref_squeeze %dma_start3A_302 : memref<1x100001x64xf32, #tpu.memory_space<hbm>> -> memref<100001x64xf32, #tpu.memory_space<hbm>>
        %dma_start3A_304 = arith.constant 0 : i32
        %dma_start3A_305 = tpu.memref_slice %dma_start3A_303[%reduce_sum3A_281, %dma_start3A_304] : memref<100001x64xf32, #tpu.memory_space<hbm>> -> memref<1x64xf32, #tpu.memory_space<hbm>>
        tpu.enqueue_dma source(%dma_start3A_305 : memref<1x64xf32, #tpu.memory_space<hbm>>) target(%dma_start3A_299 : memref<1x64xf32, #tpu.memory_space<vmem>>) target_semaphore(%dma_start3A_296 : memref<!tpu.dma_semaphore, #tpu.memory_space<semaphore_mem>>)
        %eq3A_306 = arith.constant 8 : i32
        %eq3A_307 = vector.broadcast %eq3A_306 : i32 to vector<16xi32>
        %eq3A_308 = arith.cmpi eq, %iota3A, %eq3A_307 : vector<16xi32>
        %jit3A_309 = arith.constant 0 : i32
        %broadcast_in_dim3A_310 = vector.broadcast %jit3A_309 : i32 to vector<16xi32>
        %select_n3A_311 = arith.select %eq3A_308, %get3A_39, %broadcast_in_dim3A_310 : vector<16xi1>, vector<16xi32>
        %reduce_sum3A_312 = arith.constant true
        %reduce_sum3A_313 = vector.broadcast %reduce_sum3A_312 : i1 to vector<16xi1>
        %reduce_sum3A_314 = tpu.scan <sum>, %select_n3A_311 masked %reduce_sum3A_313 : vector<16xi32>, vector<16xi1> -> vector<16xi32>
        %reduce_sum3A_315 = vector.extract %reduce_sum3A_314[15] : i32 from vector<16xi32>
        %mul3A_316 = arith.constant 16 : i32
        %mul3A_317 = arith.muli %scan3A_35, %mul3A_316 : i32
        %add3A_318 = arith.constant 8 : i32
        %add3A_319 = arith.addi %mul3A_317, %add3A_318 : i32
        %dma_start3A_320 = arith.constant 0 : i32
        %dma_start3A_321 = tpu.memref_slice %arg6[%rem3A_21, %add3A_319, %dma_start3A_320] : memref<6x128x64xf32, #tpu.memory_space<vmem>> -> memref<1x1x64xf32, #tpu.memory_space<vmem>>
        %dma_start3A_322 = tpu.memref_squeeze %dma_start3A_321 : memref<1x1x64xf32, #tpu.memory_space<vmem>> -> memref<1x64xf32, #tpu.memory_space<vmem>>
        %dma_start3A_323 = arith.constant 0 : i32
        %dma_start3A_324 = arith.constant 0 : i32
        %dma_start3A_325 = tpu.memref_slice %arg3[%scan3A_20, %dma_start3A_323, %dma_start3A_324] : memref<26x100001x64xf32, #tpu.memory_space<hbm>> -> memref<1x100001x64xf32, #tpu.memory_space<hbm>>
        %dma_start3A_326 = tpu.memref_squeeze %dma_start3A_325 : memref<1x100001x64xf32, #tpu.memory_space<hbm>> -> memref<100001x64xf32, #tpu.memory_space<hbm>>
        %dma_start3A_327 = arith.constant 0 : i32
        %dma_start3A_328 = tpu.memref_slice %dma_start3A_326[%reduce_sum3A_315, %dma_start3A_327] : memref<100001x64xf32, #tpu.memory_space<hbm>> -> memref<1x64xf32, #tpu.memory_space<hbm>>
        %dma_start3A_329 = tpu.memref_slice %arg7[%rem3A_21] : memref<6x!tpu.dma_semaphore, #tpu.memory_space<semaphore_mem>> -> memref<1x!tpu.dma_semaphore, #tpu.memory_space<semaphore_mem>>
        %dma_start3A_330 = tpu.memref_squeeze %dma_start3A_329 : memref<1x!tpu.dma_semaphore, #tpu.memory_space<semaphore_mem>> -> memref<!tpu.dma_semaphore, #tpu.memory_space<semaphore_mem>>
        %dma_start3A_331 = arith.constant 0 : i32
        %dma_start3A_332 = tpu.memref_slice %arg6[%rem3A_21, %add3A_319, %dma_start3A_331] : memref<6x128x64xf32, #tpu.memory_space<vmem>> -> memref<1x1x64xf32, #tpu.memory_space<vmem>>
        %dma_start3A_333 = tpu.memref_squeeze %dma_start3A_332 : memref<1x1x64xf32, #tpu.memory_space<vmem>> -> memref<1x64xf32, #tpu.memory_space<vmem>>
        %dma_start3A_334 = arith.constant 0 : i32
        %dma_start3A_335 = arith.constant 0 : i32
        %dma_start3A_336 = tpu.memref_slice %arg3[%scan3A_20, %dma_start3A_334, %dma_start3A_335] : memref<26x100001x64xf32, #tpu.memory_space<hbm>> -> memref<1x100001x64xf32, #tpu.memory_space<hbm>>
        %dma_start3A_337 = tpu.memref_squeeze %dma_start3A_336 : memref<1x100001x64xf32, #tpu.memory_space<hbm>> -> memref<100001x64xf32, #tpu.memory_space<hbm>>
        %dma_start3A_338 = arith.constant 0 : i32
        %dma_start3A_339 = tpu.memref_slice %dma_start3A_337[%reduce_sum3A_315, %dma_start3A_338] : memref<100001x64xf32, #tpu.memory_space<hbm>> -> memref<1x64xf32, #tpu.memory_space<hbm>>
        tpu.enqueue_dma source(%dma_start3A_339 : memref<1x64xf32, #tpu.memory_space<hbm>>) target(%dma_start3A_333 : memref<1x64xf32, #tpu.memory_space<vmem>>) target_semaphore(%dma_start3A_330 : memref<!tpu.dma_semaphore, #tpu.memory_space<semaphore_mem>>)
        %eq3A_340 = arith.constant 9 : i32
        %eq3A_341 = vector.broadcast %eq3A_340 : i32 to vector<16xi32>
        %eq3A_342 = arith.cmpi eq, %iota3A, %eq3A_341 : vector<16xi32>
        %jit3A_343 = arith.constant 0 : i32
        %broadcast_in_dim3A_344 = vector.broadcast %jit3A_343 : i32 to vector<16xi32>
        %select_n3A_345 = arith.select %eq3A_342, %get3A_39, %broadcast_in_dim3A_344 : vector<16xi1>, vector<16xi32>
        %reduce_sum3A_346 = arith.constant true
        %reduce_sum3A_347 = vector.broadcast %reduce_sum3A_346 : i1 to vector<16xi1>
        %reduce_sum3A_348 = tpu.scan <sum>, %select_n3A_345 masked %reduce_sum3A_347 : vector<16xi32>, vector<16xi1> -> vector<16xi32>
        %reduce_sum3A_349 = vector.extract %reduce_sum3A_348[15] : i32 from vector<16xi32>
        %mul3A_350 = arith.constant 16 : i32
        %mul3A_351 = arith.muli %scan3A_35, %mul3A_350 : i32
        %add3A_352 = arith.constant 9 : i32
        %add3A_353 = arith.addi %mul3A_351, %add3A_352 : i32
        %dma_start3A_354 = arith.constant 0 : i32
        %dma_start3A_355 = tpu.memref_slice %arg6[%rem3A_21, %add3A_353, %dma_start3A_354] : memref<6x128x64xf32, #tpu.memory_space<vmem>> -> memref<1x1x64xf32, #tpu.memory_space<vmem>>
        %dma_start3A_356 = tpu.memref_squeeze %dma_start3A_355 : memref<1x1x64xf32, #tpu.memory_space<vmem>> -> memref<1x64xf32, #tpu.memory_space<vmem>>
        %dma_start3A_357 = arith.constant 0 : i32
        %dma_start3A_358 = arith.constant 0 : i32
        %dma_start3A_359 = tpu.memref_slice %arg3[%scan3A_20, %dma_start3A_357, %dma_start3A_358] : memref<26x100001x64xf32, #tpu.memory_space<hbm>> -> memref<1x100001x64xf32, #tpu.memory_space<hbm>>
        %dma_start3A_360 = tpu.memref_squeeze %dma_start3A_359 : memref<1x100001x64xf32, #tpu.memory_space<hbm>> -> memref<100001x64xf32, #tpu.memory_space<hbm>>
        %dma_start3A_361 = arith.constant 0 : i32
        %dma_start3A_362 = tpu.memref_slice %dma_start3A_360[%reduce_sum3A_349, %dma_start3A_361] : memref<100001x64xf32, #tpu.memory_space<hbm>> -> memref<1x64xf32, #tpu.memory_space<hbm>>
        %dma_start3A_363 = tpu.memref_slice %arg7[%rem3A_21] : memref<6x!tpu.dma_semaphore, #tpu.memory_space<semaphore_mem>> -> memref<1x!tpu.dma_semaphore, #tpu.memory_space<semaphore_mem>>
        %dma_start3A_364 = tpu.memref_squeeze %dma_start3A_363 : memref<1x!tpu.dma_semaphore, #tpu.memory_space<semaphore_mem>> -> memref<!tpu.dma_semaphore, #tpu.memory_space<semaphore_mem>>
        %dma_start3A_365 = arith.constant 0 : i32
        %dma_start3A_366 = tpu.memref_slice %arg6[%rem3A_21, %add3A_353, %dma_start3A_365] : memref<6x128x64xf32, #tpu.memory_space<vmem>> -> memref<1x1x64xf32, #tpu.memory_space<vmem>>
        %dma_start3A_367 = tpu.memref_squeeze %dma_start3A_366 : memref<1x1x64xf32, #tpu.memory_space<vmem>> -> memref<1x64xf32, #tpu.memory_space<vmem>>
        %dma_start3A_368 = arith.constant 0 : i32
        %dma_start3A_369 = arith.constant 0 : i32
        %dma_start3A_370 = tpu.memref_slice %arg3[%scan3A_20, %dma_start3A_368, %dma_start3A_369] : memref<26x100001x64xf32, #tpu.memory_space<hbm>> -> memref<1x100001x64xf32, #tpu.memory_space<hbm>>
        %dma_start3A_371 = tpu.memref_squeeze %dma_start3A_370 : memref<1x100001x64xf32, #tpu.memory_space<hbm>> -> memref<100001x64xf32, #tpu.memory_space<hbm>>
        %dma_start3A_372 = arith.constant 0 : i32
        %dma_start3A_373 = tpu.memref_slice %dma_start3A_371[%reduce_sum3A_349, %dma_start3A_372] : memref<100001x64xf32, #tpu.memory_space<hbm>> -> memref<1x64xf32, #tpu.memory_space<hbm>>
        tpu.enqueue_dma source(%dma_start3A_373 : memref<1x64xf32, #tpu.memory_space<hbm>>) target(%dma_start3A_367 : memref<1x64xf32, #tpu.memory_space<vmem>>) target_semaphore(%dma_start3A_364 : memref<!tpu.dma_semaphore, #tpu.memory_space<semaphore_mem>>)
        %eq3A_374 = arith.constant 10 : i32
        %eq3A_375 = vector.broadcast %eq3A_374 : i32 to vector<16xi32>
        %eq3A_376 = arith.cmpi eq, %iota3A, %eq3A_375 : vector<16xi32>
        %jit3A_377 = arith.constant 0 : i32
        %broadcast_in_dim3A_378 = vector.broadcast %jit3A_377 : i32 to vector<16xi32>
        %select_n3A_379 = arith.select %eq3A_376, %get3A_39, %broadcast_in_dim3A_378 : vector<16xi1>, vector<16xi32>
        %reduce_sum3A_380 = arith.constant true
        %reduce_sum3A_381 = vector.broadcast %reduce_sum3A_380 : i1 to vector<16xi1>
        %reduce_sum3A_382 = tpu.scan <sum>, %select_n3A_379 masked %reduce_sum3A_381 : vector<16xi32>, vector<16xi1> -> vector<16xi32>
        %reduce_sum3A_383 = vector.extract %reduce_sum3A_382[15] : i32 from vector<16xi32>
        %mul3A_384 = arith.constant 16 : i32
        %mul3A_385 = arith.muli %scan3A_35, %mul3A_384 : i32
        %add3A_386 = arith.constant 10 : i32
        %add3A_387 = arith.addi %mul3A_385, %add3A_386 : i32
        %dma_start3A_388 = arith.constant 0 : i32
        %dma_start3A_389 = tpu.memref_slice %arg6[%rem3A_21, %add3A_387, %dma_start3A_388] : memref<6x128x64xf32, #tpu.memory_space<vmem>> -> memref<1x1x64xf32, #tpu.memory_space<vmem>>
        %dma_start3A_390 = tpu.memref_squeeze %dma_start3A_389 : memref<1x1x64xf32, #tpu.memory_space<vmem>> -> memref<1x64xf32, #tpu.memory_space<vmem>>
        %dma_start3A_391 = arith.constant 0 : i32
        %dma_start3A_392 = arith.constant 0 : i32
        %dma_start3A_393 = tpu.memref_slice %arg3[%scan3A_20, %dma_start3A_391, %dma_start3A_392] : memref<26x100001x64xf32, #tpu.memory_space<hbm>> -> memref<1x100001x64xf32, #tpu.memory_space<hbm>>
        %dma_start3A_394 = tpu.memref_squeeze %dma_start3A_393 : memref<1x100001x64xf32, #tpu.memory_space<hbm>> -> memref<100001x64xf32, #tpu.memory_space<hbm>>
        %dma_start3A_395 = arith.constant 0 : i32
        %dma_start3A_396 = tpu.memref_slice %dma_start3A_394[%reduce_sum3A_383, %dma_start3A_395] : memref<100001x64xf32, #tpu.memory_space<hbm>> -> memref<1x64xf32, #tpu.memory_space<hbm>>
        %dma_start3A_397 = tpu.memref_slice %arg7[%rem3A_21] : memref<6x!tpu.dma_semaphore, #tpu.memory_space<semaphore_mem>> -> memref<1x!tpu.dma_semaphore, #tpu.memory_space<semaphore_mem>>
        %dma_start3A_398 = tpu.memref_squeeze %dma_start3A_397 : memref<1x!tpu.dma_semaphore, #tpu.memory_space<semaphore_mem>> -> memref<!tpu.dma_semaphore, #tpu.memory_space<semaphore_mem>>
        %dma_start3A_399 = arith.constant 0 : i32
        %dma_start3A_400 = tpu.memref_slice %arg6[%rem3A_21, %add3A_387, %dma_start3A_399] : memref<6x128x64xf32, #tpu.memory_space<vmem>> -> memref<1x1x64xf32, #tpu.memory_space<vmem>>
        %dma_start3A_401 = tpu.memref_squeeze %dma_start3A_400 : memref<1x1x64xf32, #tpu.memory_space<vmem>> -> memref<1x64xf32, #tpu.memory_space<vmem>>
        %dma_start3A_402 = arith.constant 0 : i32
        %dma_start3A_403 = arith.constant 0 : i32
        %dma_start3A_404 = tpu.memref_slice %arg3[%scan3A_20, %dma_start3A_402, %dma_start3A_403] : memref<26x100001x64xf32, #tpu.memory_space<hbm>> -> memref<1x100001x64xf32, #tpu.memory_space<hbm>>
        %dma_start3A_405 = tpu.memref_squeeze %dma_start3A_404 : memref<1x100001x64xf32, #tpu.memory_space<hbm>> -> memref<100001x64xf32, #tpu.memory_space<hbm>>
        %dma_start3A_406 = arith.constant 0 : i32
        %dma_start3A_407 = tpu.memref_slice %dma_start3A_405[%reduce_sum3A_383, %dma_start3A_406] : memref<100001x64xf32, #tpu.memory_space<hbm>> -> memref<1x64xf32, #tpu.memory_space<hbm>>
        tpu.enqueue_dma source(%dma_start3A_407 : memref<1x64xf32, #tpu.memory_space<hbm>>) target(%dma_start3A_401 : memref<1x64xf32, #tpu.memory_space<vmem>>) target_semaphore(%dma_start3A_398 : memref<!tpu.dma_semaphore, #tpu.memory_space<semaphore_mem>>)
        %eq3A_408 = arith.constant 11 : i32
        %eq3A_409 = vector.broadcast %eq3A_408 : i32 to vector<16xi32>
        %eq3A_410 = arith.cmpi eq, %iota3A, %eq3A_409 : vector<16xi32>
        %jit3A_411 = arith.constant 0 : i32
        %broadcast_in_dim3A_412 = vector.broadcast %jit3A_411 : i32 to vector<16xi32>
        %select_n3A_413 = arith.select %eq3A_410, %get3A_39, %broadcast_in_dim3A_412 : vector<16xi1>, vector<16xi32>
        %reduce_sum3A_414 = arith.constant true
        %reduce_sum3A_415 = vector.broadcast %reduce_sum3A_414 : i1 to vector<16xi1>
        %reduce_sum3A_416 = tpu.scan <sum>, %select_n3A_413 masked %reduce_sum3A_415 : vector<16xi32>, vector<16xi1> -> vector<16xi32>
        %reduce_sum3A_417 = vector.extract %reduce_sum3A_416[15] : i32 from vector<16xi32>
        %mul3A_418 = arith.constant 16 : i32
        %mul3A_419 = arith.muli %scan3A_35, %mul3A_418 : i32
        %add3A_420 = arith.constant 11 : i32
        %add3A_421 = arith.addi %mul3A_419, %add3A_420 : i32
        %dma_start3A_422 = arith.constant 0 : i32
        %dma_start3A_423 = tpu.memref_slice %arg6[%rem3A_21, %add3A_421, %dma_start3A_422] : memref<6x128x64xf32, #tpu.memory_space<vmem>> -> memref<1x1x64xf32, #tpu.memory_space<vmem>>
        %dma_start3A_424 = tpu.memref_squeeze %dma_start3A_423 : memref<1x1x64xf32, #tpu.memory_space<vmem>> -> memref<1x64xf32, #tpu.memory_space<vmem>>
        %dma_start3A_425 = arith.constant 0 : i32
        %dma_start3A_426 = arith.constant 0 : i32
        %dma_start3A_427 = tpu.memref_slice %arg3[%scan3A_20, %dma_start3A_425, %dma_start3A_426] : memref<26x100001x64xf32, #tpu.memory_space<hbm>> -> memref<1x100001x64xf32, #tpu.memory_space<hbm>>
        %dma_start3A_428 = tpu.memref_squeeze %dma_start3A_427 : memref<1x100001x64xf32, #tpu.memory_space<hbm>> -> memref<100001x64xf32, #tpu.memory_space<hbm>>
        %dma_start3A_429 = arith.constant 0 : i32
        %dma_start3A_430 = tpu.memref_slice %dma_start3A_428[%reduce_sum3A_417, %dma_start3A_429] : memref<100001x64xf32, #tpu.memory_space<hbm>> -> memref<1x64xf32, #tpu.memory_space<hbm>>
        %dma_start3A_431 = tpu.memref_slice %arg7[%rem3A_21] : memref<6x!tpu.dma_semaphore, #tpu.memory_space<semaphore_mem>> -> memref<1x!tpu.dma_semaphore, #tpu.memory_space<semaphore_mem>>
        %dma_start3A_432 = tpu.memref_squeeze %dma_start3A_431 : memref<1x!tpu.dma_semaphore, #tpu.memory_space<semaphore_mem>> -> memref<!tpu.dma_semaphore, #tpu.memory_space<semaphore_mem>>
        %dma_start3A_433 = arith.constant 0 : i32
        %dma_start3A_434 = tpu.memref_slice %arg6[%rem3A_21, %add3A_421, %dma_start3A_433] : memref<6x128x64xf32, #tpu.memory_space<vmem>> -> memref<1x1x64xf32, #tpu.memory_space<vmem>>
        %dma_start3A_435 = tpu.memref_squeeze %dma_start3A_434 : memref<1x1x64xf32, #tpu.memory_space<vmem>> -> memref<1x64xf32, #tpu.memory_space<vmem>>
        %dma_start3A_436 = arith.constant 0 : i32
        %dma_start3A_437 = arith.constant 0 : i32
        %dma_start3A_438 = tpu.memref_slice %arg3[%scan3A_20, %dma_start3A_436, %dma_start3A_437] : memref<26x100001x64xf32, #tpu.memory_space<hbm>> -> memref<1x100001x64xf32, #tpu.memory_space<hbm>>
        %dma_start3A_439 = tpu.memref_squeeze %dma_start3A_438 : memref<1x100001x64xf32, #tpu.memory_space<hbm>> -> memref<100001x64xf32, #tpu.memory_space<hbm>>
        %dma_start3A_440 = arith.constant 0 : i32
        %dma_start3A_441 = tpu.memref_slice %dma_start3A_439[%reduce_sum3A_417, %dma_start3A_440] : memref<100001x64xf32, #tpu.memory_space<hbm>> -> memref<1x64xf32, #tpu.memory_space<hbm>>
        tpu.enqueue_dma source(%dma_start3A_441 : memref<1x64xf32, #tpu.memory_space<hbm>>) target(%dma_start3A_435 : memref<1x64xf32, #tpu.memory_space<vmem>>) target_semaphore(%dma_start3A_432 : memref<!tpu.dma_semaphore, #tpu.memory_space<semaphore_mem>>)
        %eq3A_442 = arith.constant 12 : i32
        %eq3A_443 = vector.broadcast %eq3A_442 : i32 to vector<16xi32>
        %eq3A_444 = arith.cmpi eq, %iota3A, %eq3A_443 : vector<16xi32>
        %jit3A_445 = arith.constant 0 : i32
        %broadcast_in_dim3A_446 = vector.broadcast %jit3A_445 : i32 to vector<16xi32>
        %select_n3A_447 = arith.select %eq3A_444, %get3A_39, %broadcast_in_dim3A_446 : vector<16xi1>, vector<16xi32>
        %reduce_sum3A_448 = arith.constant true
        %reduce_sum3A_449 = vector.broadcast %reduce_sum3A_448 : i1 to vector<16xi1>
        %reduce_sum3A_450 = tpu.scan <sum>, %select_n3A_447 masked %reduce_sum3A_449 : vector<16xi32>, vector<16xi1> -> vector<16xi32>
        %reduce_sum3A_451 = vector.extract %reduce_sum3A_450[15] : i32 from vector<16xi32>
        %mul3A_452 = arith.constant 16 : i32
        %mul3A_453 = arith.muli %scan3A_35, %mul3A_452 : i32
        %add3A_454 = arith.constant 12 : i32
        %add3A_455 = arith.addi %mul3A_453, %add3A_454 : i32
        %dma_start3A_456 = arith.constant 0 : i32
        %dma_start3A_457 = tpu.memref_slice %arg6[%rem3A_21, %add3A_455, %dma_start3A_456] : memref<6x128x64xf32, #tpu.memory_space<vmem>> -> memref<1x1x64xf32, #tpu.memory_space<vmem>>
        %dma_start3A_458 = tpu.memref_squeeze %dma_start3A_457 : memref<1x1x64xf32, #tpu.memory_space<vmem>> -> memref<1x64xf32, #tpu.memory_space<vmem>>
        %dma_start3A_459 = arith.constant 0 : i32
        %dma_start3A_460 = arith.constant 0 : i32
        %dma_start3A_461 = tpu.memref_slice %arg3[%scan3A_20, %dma_start3A_459, %dma_start3A_460] : memref<26x100001x64xf32, #tpu.memory_space<hbm>> -> memref<1x100001x64xf32, #tpu.memory_space<hbm>>
        %dma_start3A_462 = tpu.memref_squeeze %dma_start3A_461 : memref<1x100001x64xf32, #tpu.memory_space<hbm>> -> memref<100001x64xf32, #tpu.memory_space<hbm>>
        %dma_start3A_463 = arith.constant 0 : i32
        %dma_start3A_464 = tpu.memref_slice %dma_start3A_462[%reduce_sum3A_451, %dma_start3A_463] : memref<100001x64xf32, #tpu.memory_space<hbm>> -> memref<1x64xf32, #tpu.memory_space<hbm>>
        %dma_start3A_465 = tpu.memref_slice %arg7[%rem3A_21] : memref<6x!tpu.dma_semaphore, #tpu.memory_space<semaphore_mem>> -> memref<1x!tpu.dma_semaphore, #tpu.memory_space<semaphore_mem>>
        %dma_start3A_466 = tpu.memref_squeeze %dma_start3A_465 : memref<1x!tpu.dma_semaphore, #tpu.memory_space<semaphore_mem>> -> memref<!tpu.dma_semaphore, #tpu.memory_space<semaphore_mem>>
        %dma_start3A_467 = arith.constant 0 : i32
        %dma_start3A_468 = tpu.memref_slice %arg6[%rem3A_21, %add3A_455, %dma_start3A_467] : memref<6x128x64xf32, #tpu.memory_space<vmem>> -> memref<1x1x64xf32, #tpu.memory_space<vmem>>
        %dma_start3A_469 = tpu.memref_squeeze %dma_start3A_468 : memref<1x1x64xf32, #tpu.memory_space<vmem>> -> memref<1x64xf32, #tpu.memory_space<vmem>>
        %dma_start3A_470 = arith.constant 0 : i32
        %dma_start3A_471 = arith.constant 0 : i32
        %dma_start3A_472 = tpu.memref_slice %arg3[%scan3A_20, %dma_start3A_470, %dma_start3A_471] : memref<26x100001x64xf32, #tpu.memory_space<hbm>> -> memref<1x100001x64xf32, #tpu.memory_space<hbm>>
        %dma_start3A_473 = tpu.memref_squeeze %dma_start3A_472 : memref<1x100001x64xf32, #tpu.memory_space<hbm>> -> memref<100001x64xf32, #tpu.memory_space<hbm>>
        %dma_start3A_474 = arith.constant 0 : i32
        %dma_start3A_475 = tpu.memref_slice %dma_start3A_473[%reduce_sum3A_451, %dma_start3A_474] : memref<100001x64xf32, #tpu.memory_space<hbm>> -> memref<1x64xf32, #tpu.memory_space<hbm>>
        tpu.enqueue_dma source(%dma_start3A_475 : memref<1x64xf32, #tpu.memory_space<hbm>>) target(%dma_start3A_469 : memref<1x64xf32, #tpu.memory_space<vmem>>) target_semaphore(%dma_start3A_466 : memref<!tpu.dma_semaphore, #tpu.memory_space<semaphore_mem>>)
        %eq3A_476 = arith.constant 13 : i32
        %eq3A_477 = vector.broadcast %eq3A_476 : i32 to vector<16xi32>
        %eq3A_478 = arith.cmpi eq, %iota3A, %eq3A_477 : vector<16xi32>
        %jit3A_479 = arith.constant 0 : i32
        %broadcast_in_dim3A_480 = vector.broadcast %jit3A_479 : i32 to vector<16xi32>
        %select_n3A_481 = arith.select %eq3A_478, %get3A_39, %broadcast_in_dim3A_480 : vector<16xi1>, vector<16xi32>
        %reduce_sum3A_482 = arith.constant true
        %reduce_sum3A_483 = vector.broadcast %reduce_sum3A_482 : i1 to vector<16xi1>
        %reduce_sum3A_484 = tpu.scan <sum>, %select_n3A_481 masked %reduce_sum3A_483 : vector<16xi32>, vector<16xi1> -> vector<16xi32>
        %reduce_sum3A_485 = vector.extract %reduce_sum3A_484[15] : i32 from vector<16xi32>
        %mul3A_486 = arith.constant 16 : i32
        %mul3A_487 = arith.muli %scan3A_35, %mul3A_486 : i32
        %add3A_488 = arith.constant 13 : i32
        %add3A_489 = arith.addi %mul3A_487, %add3A_488 : i32
        %dma_start3A_490 = arith.constant 0 : i32
        %dma_start3A_491 = tpu.memref_slice %arg6[%rem3A_21, %add3A_489, %dma_start3A_490] : memref<6x128x64xf32, #tpu.memory_space<vmem>> -> memref<1x1x64xf32, #tpu.memory_space<vmem>>
        %dma_start3A_492 = tpu.memref_squeeze %dma_start3A_491 : memref<1x1x64xf32, #tpu.memory_space<vmem>> -> memref<1x64xf32, #tpu.memory_space<vmem>>
        %dma_start3A_493 = arith.constant 0 : i32
        %dma_start3A_494 = arith.constant 0 : i32
        %dma_start3A_495 = tpu.memref_slice %arg3[%scan3A_20, %dma_start3A_493, %dma_start3A_494] : memref<26x100001x64xf32, #tpu.memory_space<hbm>> -> memref<1x100001x64xf32, #tpu.memory_space<hbm>>
        %dma_start3A_496 = tpu.memref_squeeze %dma_start3A_495 : memref<1x100001x64xf32, #tpu.memory_space<hbm>> -> memref<100001x64xf32, #tpu.memory_space<hbm>>
        %dma_start3A_497 = arith.constant 0 : i32
        %dma_start3A_498 = tpu.memref_slice %dma_start3A_496[%reduce_sum3A_485, %dma_start3A_497] : memref<100001x64xf32, #tpu.memory_space<hbm>> -> memref<1x64xf32, #tpu.memory_space<hbm>>
        %dma_start3A_499 = tpu.memref_slice %arg7[%rem3A_21] : memref<6x!tpu.dma_semaphore, #tpu.memory_space<semaphore_mem>> -> memref<1x!tpu.dma_semaphore, #tpu.memory_space<semaphore_mem>>
        %dma_start3A_500 = tpu.memref_squeeze %dma_start3A_499 : memref<1x!tpu.dma_semaphore, #tpu.memory_space<semaphore_mem>> -> memref<!tpu.dma_semaphore, #tpu.memory_space<semaphore_mem>>
        %dma_start3A_501 = arith.constant 0 : i32
        %dma_start3A_502 = tpu.memref_slice %arg6[%rem3A_21, %add3A_489, %dma_start3A_501] : memref<6x128x64xf32, #tpu.memory_space<vmem>> -> memref<1x1x64xf32, #tpu.memory_space<vmem>>
        %dma_start3A_503 = tpu.memref_squeeze %dma_start3A_502 : memref<1x1x64xf32, #tpu.memory_space<vmem>> -> memref<1x64xf32, #tpu.memory_space<vmem>>
        %dma_start3A_504 = arith.constant 0 : i32
        %dma_start3A_505 = arith.constant 0 : i32
        %dma_start3A_506 = tpu.memref_slice %arg3[%scan3A_20, %dma_start3A_504, %dma_start3A_505] : memref<26x100001x64xf32, #tpu.memory_space<hbm>> -> memref<1x100001x64xf32, #tpu.memory_space<hbm>>
        %dma_start3A_507 = tpu.memref_squeeze %dma_start3A_506 : memref<1x100001x64xf32, #tpu.memory_space<hbm>> -> memref<100001x64xf32, #tpu.memory_space<hbm>>
        %dma_start3A_508 = arith.constant 0 : i32
        %dma_start3A_509 = tpu.memref_slice %dma_start3A_507[%reduce_sum3A_485, %dma_start3A_508] : memref<100001x64xf32, #tpu.memory_space<hbm>> -> memref<1x64xf32, #tpu.memory_space<hbm>>
        tpu.enqueue_dma source(%dma_start3A_509 : memref<1x64xf32, #tpu.memory_space<hbm>>) target(%dma_start3A_503 : memref<1x64xf32, #tpu.memory_space<vmem>>) target_semaphore(%dma_start3A_500 : memref<!tpu.dma_semaphore, #tpu.memory_space<semaphore_mem>>)
        %eq3A_510 = arith.constant 14 : i32
        %eq3A_511 = vector.broadcast %eq3A_510 : i32 to vector<16xi32>
        %eq3A_512 = arith.cmpi eq, %iota3A, %eq3A_511 : vector<16xi32>
        %jit3A_513 = arith.constant 0 : i32
        %broadcast_in_dim3A_514 = vector.broadcast %jit3A_513 : i32 to vector<16xi32>
        %select_n3A_515 = arith.select %eq3A_512, %get3A_39, %broadcast_in_dim3A_514 : vector<16xi1>, vector<16xi32>
        %reduce_sum3A_516 = arith.constant true
        %reduce_sum3A_517 = vector.broadcast %reduce_sum3A_516 : i1 to vector<16xi1>
        %reduce_sum3A_518 = tpu.scan <sum>, %select_n3A_515 masked %reduce_sum3A_517 : vector<16xi32>, vector<16xi1> -> vector<16xi32>
        %reduce_sum3A_519 = vector.extract %reduce_sum3A_518[15] : i32 from vector<16xi32>
        %mul3A_520 = arith.constant 16 : i32
        %mul3A_521 = arith.muli %scan3A_35, %mul3A_520 : i32
        %add3A_522 = arith.constant 14 : i32
        %add3A_523 = arith.addi %mul3A_521, %add3A_522 : i32
        %dma_start3A_524 = arith.constant 0 : i32
        %dma_start3A_525 = tpu.memref_slice %arg6[%rem3A_21, %add3A_523, %dma_start3A_524] : memref<6x128x64xf32, #tpu.memory_space<vmem>> -> memref<1x1x64xf32, #tpu.memory_space<vmem>>
        %dma_start3A_526 = tpu.memref_squeeze %dma_start3A_525 : memref<1x1x64xf32, #tpu.memory_space<vmem>> -> memref<1x64xf32, #tpu.memory_space<vmem>>
        %dma_start3A_527 = arith.constant 0 : i32
        %dma_start3A_528 = arith.constant 0 : i32
        %dma_start3A_529 = tpu.memref_slice %arg3[%scan3A_20, %dma_start3A_527, %dma_start3A_528] : memref<26x100001x64xf32, #tpu.memory_space<hbm>> -> memref<1x100001x64xf32, #tpu.memory_space<hbm>>
        %dma_start3A_530 = tpu.memref_squeeze %dma_start3A_529 : memref<1x100001x64xf32, #tpu.memory_space<hbm>> -> memref<100001x64xf32, #tpu.memory_space<hbm>>
        %dma_start3A_531 = arith.constant 0 : i32
        %dma_start3A_532 = tpu.memref_slice %dma_start3A_530[%reduce_sum3A_519, %dma_start3A_531] : memref<100001x64xf32, #tpu.memory_space<hbm>> -> memref<1x64xf32, #tpu.memory_space<hbm>>
        %dma_start3A_533 = tpu.memref_slice %arg7[%rem3A_21] : memref<6x!tpu.dma_semaphore, #tpu.memory_space<semaphore_mem>> -> memref<1x!tpu.dma_semaphore, #tpu.memory_space<semaphore_mem>>
        %dma_start3A_534 = tpu.memref_squeeze %dma_start3A_533 : memref<1x!tpu.dma_semaphore, #tpu.memory_space<semaphore_mem>> -> memref<!tpu.dma_semaphore, #tpu.memory_space<semaphore_mem>>
        %dma_start3A_535 = arith.constant 0 : i32
        %dma_start3A_536 = tpu.memref_slice %arg6[%rem3A_21, %add3A_523, %dma_start3A_535] : memref<6x128x64xf32, #tpu.memory_space<vmem>> -> memref<1x1x64xf32, #tpu.memory_space<vmem>>
        %dma_start3A_537 = tpu.memref_squeeze %dma_start3A_536 : memref<1x1x64xf32, #tpu.memory_space<vmem>> -> memref<1x64xf32, #tpu.memory_space<vmem>>
        %dma_start3A_538 = arith.constant 0 : i32
        %dma_start3A_539 = arith.constant 0 : i32
        %dma_start3A_540 = tpu.memref_slice %arg3[%scan3A_20, %dma_start3A_538, %dma_start3A_539] : memref<26x100001x64xf32, #tpu.memory_space<hbm>> -> memref<1x100001x64xf32, #tpu.memory_space<hbm>>
        %dma_start3A_541 = tpu.memref_squeeze %dma_start3A_540 : memref<1x100001x64xf32, #tpu.memory_space<hbm>> -> memref<100001x64xf32, #tpu.memory_space<hbm>>
        %dma_start3A_542 = arith.constant 0 : i32
        %dma_start3A_543 = tpu.memref_slice %dma_start3A_541[%reduce_sum3A_519, %dma_start3A_542] : memref<100001x64xf32, #tpu.memory_space<hbm>> -> memref<1x64xf32, #tpu.memory_space<hbm>>
        tpu.enqueue_dma source(%dma_start3A_543 : memref<1x64xf32, #tpu.memory_space<hbm>>) target(%dma_start3A_537 : memref<1x64xf32, #tpu.memory_space<vmem>>) target_semaphore(%dma_start3A_534 : memref<!tpu.dma_semaphore, #tpu.memory_space<semaphore_mem>>)
        %eq3A_544 = arith.constant 15 : i32
        %eq3A_545 = vector.broadcast %eq3A_544 : i32 to vector<16xi32>
        %eq3A_546 = arith.cmpi eq, %iota3A, %eq3A_545 : vector<16xi32>
        %jit3A_547 = arith.constant 0 : i32
        %broadcast_in_dim3A_548 = vector.broadcast %jit3A_547 : i32 to vector<16xi32>
        %select_n3A_549 = arith.select %eq3A_546, %get3A_39, %broadcast_in_dim3A_548 : vector<16xi1>, vector<16xi32>
        %reduce_sum3A_550 = arith.constant true
        %reduce_sum3A_551 = vector.broadcast %reduce_sum3A_550 : i1 to vector<16xi1>
        %reduce_sum3A_552 = tpu.scan <sum>, %select_n3A_549 masked %reduce_sum3A_551 : vector<16xi32>, vector<16xi1> -> vector<16xi32>
        %reduce_sum3A_553 = vector.extract %reduce_sum3A_552[15] : i32 from vector<16xi32>
        %mul3A_554 = arith.constant 16 : i32
        %mul3A_555 = arith.muli %scan3A_35, %mul3A_554 : i32
        %add3A_556 = arith.constant 15 : i32
        %add3A_557 = arith.addi %mul3A_555, %add3A_556 : i32
        %dma_start3A_558 = arith.constant 0 : i32
        %dma_start3A_559 = tpu.memref_slice %arg6[%rem3A_21, %add3A_557, %dma_start3A_558] : memref<6x128x64xf32, #tpu.memory_space<vmem>> -> memref<1x1x64xf32, #tpu.memory_space<vmem>>
        %dma_start3A_560 = tpu.memref_squeeze %dma_start3A_559 : memref<1x1x64xf32, #tpu.memory_space<vmem>> -> memref<1x64xf32, #tpu.memory_space<vmem>>
        %dma_start3A_561 = arith.constant 0 : i32
        %dma_start3A_562 = arith.constant 0 : i32
        %dma_start3A_563 = tpu.memref_slice %arg3[%scan3A_20, %dma_start3A_561, %dma_start3A_562] : memref<26x100001x64xf32, #tpu.memory_space<hbm>> -> memref<1x100001x64xf32, #tpu.memory_space<hbm>>
        %dma_start3A_564 = tpu.memref_squeeze %dma_start3A_563 : memref<1x100001x64xf32, #tpu.memory_space<hbm>> -> memref<100001x64xf32, #tpu.memory_space<hbm>>
        %dma_start3A_565 = arith.constant 0 : i32
        %dma_start3A_566 = tpu.memref_slice %dma_start3A_564[%reduce_sum3A_553, %dma_start3A_565] : memref<100001x64xf32, #tpu.memory_space<hbm>> -> memref<1x64xf32, #tpu.memory_space<hbm>>
        %dma_start3A_567 = tpu.memref_slice %arg7[%rem3A_21] : memref<6x!tpu.dma_semaphore, #tpu.memory_space<semaphore_mem>> -> memref<1x!tpu.dma_semaphore, #tpu.memory_space<semaphore_mem>>
        %dma_start3A_568 = tpu.memref_squeeze %dma_start3A_567 : memref<1x!tpu.dma_semaphore, #tpu.memory_space<semaphore_mem>> -> memref<!tpu.dma_semaphore, #tpu.memory_space<semaphore_mem>>
        %dma_start3A_569 = arith.constant 0 : i32
        %dma_start3A_570 = tpu.memref_slice %arg6[%rem3A_21, %add3A_557, %dma_start3A_569] : memref<6x128x64xf32, #tpu.memory_space<vmem>> -> memref<1x1x64xf32, #tpu.memory_space<vmem>>
        %dma_start3A_571 = tpu.memref_squeeze %dma_start3A_570 : memref<1x1x64xf32, #tpu.memory_space<vmem>> -> memref<1x64xf32, #tpu.memory_space<vmem>>
        %dma_start3A_572 = arith.constant 0 : i32
        %dma_start3A_573 = arith.constant 0 : i32
        %dma_start3A_574 = tpu.memref_slice %arg3[%scan3A_20, %dma_start3A_572, %dma_start3A_573] : memref<26x100001x64xf32, #tpu.memory_space<hbm>> -> memref<1x100001x64xf32, #tpu.memory_space<hbm>>
        %dma_start3A_575 = tpu.memref_squeeze %dma_start3A_574 : memref<1x100001x64xf32, #tpu.memory_space<hbm>> -> memref<100001x64xf32, #tpu.memory_space<hbm>>
        %dma_start3A_576 = arith.constant 0 : i32
        %dma_start3A_577 = tpu.memref_slice %dma_start3A_575[%reduce_sum3A_553, %dma_start3A_576] : memref<100001x64xf32, #tpu.memory_space<hbm>> -> memref<1x64xf32, #tpu.memory_space<hbm>>
        tpu.enqueue_dma source(%dma_start3A_577 : memref<1x64xf32, #tpu.memory_space<hbm>>) target(%dma_start3A_571 : memref<1x64xf32, #tpu.memory_space<vmem>>) target_semaphore(%dma_start3A_568 : memref<!tpu.dma_semaphore, #tpu.memory_space<semaphore_mem>>)
      }
      %scan3A_29 = arith.constant 8 : i32
      %ge3A_30 = arith.constant 3 : i32
      %ge3A_31 = arith.cmpi sge, %scan3A_20, %ge3A_30 : i32
      %convert_element_type3A_32 = arith.extui %ge3A_31 : i1 to i32
      %cond3A_33 = arith.constant 0 : i32
      %cond3A_34 = arith.cmpi ne, %convert_element_type3A_32, %cond3A_33 : i32
      scf.if %cond3A_34 {
        %sub3A = arith.constant 3 : i32
        %sub3A_35 = arith.subi %scan3A_20, %sub3A : i32
        %rem3A_36 = arith.constant 6 : i32
        %rem3A_37 = arith.remsi %sub3A_35, %rem3A_36 : i32
        %dma_wait3A = arith.constant 0 : i32
        %dma_wait3A_38 = arith.constant 0 : i32
        %dma_wait3A_39 = arith.constant 0 : i32
        %dma_wait3A_40 = tpu.memref_slice %arg6[%rem3A_37, %dma_wait3A_38, %dma_wait3A_39] : memref<6x128x64xf32, #tpu.memory_space<vmem>> -> memref<1x128x64xf32, #tpu.memory_space<vmem>>
        %dma_wait3A_41 = tpu.memref_squeeze %dma_wait3A_40 : memref<1x128x64xf32, #tpu.memory_space<vmem>> -> memref<128x64xf32, #tpu.memory_space<vmem>>
        %dma_wait3A_42 = arith.constant 0 : i32
        %dma_wait3A_43 = arith.constant 0 : i32
        %dma_wait3A_44 = tpu.memref_slice %arg3[%dma_wait3A, %dma_wait3A_42, %dma_wait3A_43] : memref<26x100001x64xf32, #tpu.memory_space<hbm>> -> memref<1x100001x64xf32, #tpu.memory_space<hbm>>
        %dma_wait3A_45 = tpu.memref_squeeze %dma_wait3A_44 : memref<1x100001x64xf32, #tpu.memory_space<hbm>> -> memref<100001x64xf32, #tpu.memory_space<hbm>>
        %dma_wait3A_46 = arith.constant 0 : i32
        %dma_wait3A_47 = arith.constant 0 : i32
        %dma_wait3A_48 = tpu.memref_slice %dma_wait3A_45[%dma_wait3A_46, %dma_wait3A_47] : memref<100001x64xf32, #tpu.memory_space<hbm>> -> memref<128x64xf32, #tpu.memory_space<hbm>>
        %dma_wait3A_49 = tpu.memref_slice %arg7[%rem3A_37] : memref<6x!tpu.dma_semaphore, #tpu.memory_space<semaphore_mem>> -> memref<1x!tpu.dma_semaphore, #tpu.memory_space<semaphore_mem>>
        %dma_wait3A_50 = tpu.memref_squeeze %dma_wait3A_49 : memref<1x!tpu.dma_semaphore, #tpu.memory_space<semaphore_mem>> -> memref<!tpu.dma_semaphore, #tpu.memory_space<semaphore_mem>>
        %dma_wait3A_51 = arith.constant 0 : i32
        %dma_wait3A_52 = arith.constant 0 : i32
        %dma_wait3A_53 = tpu.memref_slice %arg6[%rem3A_37, %dma_wait3A_51, %dma_wait3A_52] : memref<6x128x64xf32, #tpu.memory_space<vmem>> -> memref<1x128x64xf32, #tpu.memory_space<vmem>>
        %dma_wait3A_54 = tpu.memref_squeeze %dma_wait3A_53 : memref<1x128x64xf32, #tpu.memory_space<vmem>> -> memref<128x64xf32, #tpu.memory_space<vmem>>
        %dma_wait3A_55 = arith.constant 0 : i32
        %dma_wait3A_56 = arith.constant 0 : i32
        %dma_wait3A_57 = tpu.memref_slice %arg3[%dma_wait3A, %dma_wait3A_55, %dma_wait3A_56] : memref<26x100001x64xf32, #tpu.memory_space<hbm>> -> memref<1x100001x64xf32, #tpu.memory_space<hbm>>
        %dma_wait3A_58 = tpu.memref_squeeze %dma_wait3A_57 : memref<1x100001x64xf32, #tpu.memory_space<hbm>> -> memref<100001x64xf32, #tpu.memory_space<hbm>>
        %dma_wait3A_59 = arith.constant 0 : i32
        %dma_wait3A_60 = arith.constant 0 : i32
        %dma_wait3A_61 = tpu.memref_slice %dma_wait3A_58[%dma_wait3A_59, %dma_wait3A_60] : memref<100001x64xf32, #tpu.memory_space<hbm>> -> memref<128x64xf32, #tpu.memory_space<hbm>>
        tpu.wait_dma2 semaphore(%dma_wait3A_50 : memref<!tpu.dma_semaphore, #tpu.memory_space<semaphore_mem>>) src(%dma_wait3A_61 : memref<128x64xf32, #tpu.memory_space<hbm>>) dst(%dma_wait3A_54 : memref<128x64xf32, #tpu.memory_space<vmem>>)
        %dma_start3A = arith.constant 0 : i32
        %dma_start3A_62 = arith.constant 0 : i32
        %dma_start3A_63 = tpu.memref_slice %arg6[%rem3A_37, %dma_start3A, %dma_start3A_62] : memref<6x128x64xf32, #tpu.memory_space<vmem>> -> memref<1x128x64xf32, #tpu.memory_space<vmem>>
        %dma_start3A_64 = tpu.memref_squeeze %dma_start3A_63 : memref<1x128x64xf32, #tpu.memory_space<vmem>> -> memref<128x64xf32, #tpu.memory_space<vmem>>
        %dma_start3A_65 = arith.constant 0 : i32
        %dma_start3A_66 = tpu.memref_slice %arg4[%sub3A_35, %mul3A_2, %dma_start3A_65] : memref<26x4096x64xf32, #tpu.memory_space<hbm>> -> memref<1x128x64xf32, #tpu.memory_space<hbm>>
        %dma_start3A_67 = tpu.memref_squeeze %dma_start3A_66 : memref<1x128x64xf32, #tpu.memory_space<hbm>> -> memref<128x64xf32, #tpu.memory_space<hbm>>
        %dma_start3A_68 = tpu.memref_slice %arg8[%rem3A_37] : memref<6x!tpu.dma_semaphore, #tpu.memory_space<semaphore_mem>> -> memref<1x!tpu.dma_semaphore, #tpu.memory_space<semaphore_mem>>
        %dma_start3A_69 = tpu.memref_squeeze %dma_start3A_68 : memref<1x!tpu.dma_semaphore, #tpu.memory_space<semaphore_mem>> -> memref<!tpu.dma_semaphore, #tpu.memory_space<semaphore_mem>>
        %dma_start3A_70 = arith.constant 0 : i32
        %dma_start3A_71 = tpu.memref_slice %arg4[%sub3A_35, %mul3A_2, %dma_start3A_70] : memref<26x4096x64xf32, #tpu.memory_space<hbm>> -> memref<1x128x64xf32, #tpu.memory_space<hbm>>
        %dma_start3A_72 = tpu.memref_squeeze %dma_start3A_71 : memref<1x128x64xf32, #tpu.memory_space<hbm>> -> memref<128x64xf32, #tpu.memory_space<hbm>>
        %dma_start3A_73 = arith.constant 0 : i32
        %dma_start3A_74 = arith.constant 0 : i32
        %dma_start3A_75 = tpu.memref_slice %arg6[%rem3A_37, %dma_start3A_73, %dma_start3A_74] : memref<6x128x64xf32, #tpu.memory_space<vmem>> -> memref<1x128x64xf32, #tpu.memory_space<vmem>>
        %dma_start3A_76 = tpu.memref_squeeze %dma_start3A_75 : memref<1x128x64xf32, #tpu.memory_space<vmem>> -> memref<128x64xf32, #tpu.memory_space<vmem>>
        tpu.enqueue_dma source(%dma_start3A_76 : memref<128x64xf32, #tpu.memory_space<vmem>>) target(%dma_start3A_72 : memref<128x64xf32, #tpu.memory_space<hbm>>) target_semaphore(%dma_start3A_69 : memref<!tpu.dma_semaphore, #tpu.memory_space<semaphore_mem>>)
      } else {
      }
    }
    %scan3A_7 = arith.constant 26 : i32
    %scan3A_8 = arith.constant 0 : i32
    %scan3A_9 = arith.constant 0 : i32
    %scan3A_10 = arith.constant 3 : i32
    %scan3A_11 = arith.addi %scan3A_9, %scan3A_10 : i32
    %scan3A_12 = arith.constant 1 : i32
    scf.for %scan3A_20 = %scan3A_9 to %scan3A_11 step %scan3A_12  : i32 {
      %add3A_21 = arith.constant 23 : i32
      %add3A_22 = arith.addi %add3A_21, %scan3A_20 : i32
      %rem3A = arith.constant 6 : i32
      %rem3A_23 = arith.remsi %add3A_22, %rem3A : i32
      %dma_wait3A = arith.constant 0 : i32
      %dma_wait3A_24 = arith.constant 0 : i32
      %dma_wait3A_25 = arith.constant 0 : i32
      %dma_wait3A_26 = tpu.memref_slice %arg6[%rem3A_23, %dma_wait3A_24, %dma_wait3A_25] : memref<6x128x64xf32, #tpu.memory_space<vmem>> -> memref<1x128x64xf32, #tpu.memory_space<vmem>>
      %dma_wait3A_27 = tpu.memref_squeeze %dma_wait3A_26 : memref<1x128x64xf32, #tpu.memory_space<vmem>> -> memref<128x64xf32, #tpu.memory_space<vmem>>
      %dma_wait3A_28 = arith.constant 0 : i32
      %dma_wait3A_29 = arith.constant 0 : i32
      %dma_wait3A_30 = tpu.memref_slice %arg3[%dma_wait3A, %dma_wait3A_28, %dma_wait3A_29] : memref<26x100001x64xf32, #tpu.memory_space<hbm>> -> memref<1x100001x64xf32, #tpu.memory_space<hbm>>
      %dma_wait3A_31 = tpu.memref_squeeze %dma_wait3A_30 : memref<1x100001x64xf32, #tpu.memory_space<hbm>> -> memref<100001x64xf32, #tpu.memory_space<hbm>>
      %dma_wait3A_32 = arith.constant 0 : i32
      %dma_wait3A_33 = arith.constant 0 : i32
      %dma_wait3A_34 = tpu.memref_slice %dma_wait3A_31[%dma_wait3A_32, %dma_wait3A_33] : memref<100001x64xf32, #tpu.memory_space<hbm>> -> memref<128x64xf32, #tpu.memory_space<hbm>>
      %dma_wait3A_35 = tpu.memref_slice %arg7[%rem3A_23] : memref<6x!tpu.dma_semaphore, #tpu.memory_space<semaphore_mem>> -> memref<1x!tpu.dma_semaphore, #tpu.memory_space<semaphore_mem>>
      %dma_wait3A_36 = tpu.memref_squeeze %dma_wait3A_35 : memref<1x!tpu.dma_semaphore, #tpu.memory_space<semaphore_mem>> -> memref<!tpu.dma_semaphore, #tpu.memory_space<semaphore_mem>>
      %dma_wait3A_37 = arith.constant 0 : i32
      %dma_wait3A_38 = arith.constant 0 : i32
      %dma_wait3A_39 = tpu.memref_slice %arg6[%rem3A_23, %dma_wait3A_37, %dma_wait3A_38] : memref<6x128x64xf32, #tpu.memory_space<vmem>> -> memref<1x128x64xf32, #tpu.memory_space<vmem>>
      %dma_wait3A_40 = tpu.memref_squeeze %dma_wait3A_39 : memref<1x128x64xf32, #tpu.memory_space<vmem>> -> memref<128x64xf32, #tpu.memory_space<vmem>>
      %dma_wait3A_41 = arith.constant 0 : i32
      %dma_wait3A_42 = arith.constant 0 : i32
      %dma_wait3A_43 = tpu.memref_slice %arg3[%dma_wait3A, %dma_wait3A_41, %dma_wait3A_42] : memref<26x100001x64xf32, #tpu.memory_space<hbm>> -> memref<1x100001x64xf32, #tpu.memory_space<hbm>>
      %dma_wait3A_44 = tpu.memref_squeeze %dma_wait3A_43 : memref<1x100001x64xf32, #tpu.memory_space<hbm>> -> memref<100001x64xf32, #tpu.memory_space<hbm>>
      %dma_wait3A_45 = arith.constant 0 : i32
      %dma_wait3A_46 = arith.constant 0 : i32
      %dma_wait3A_47 = tpu.memref_slice %dma_wait3A_44[%dma_wait3A_45, %dma_wait3A_46] : memref<100001x64xf32, #tpu.memory_space<hbm>> -> memref<128x64xf32, #tpu.memory_space<hbm>>
      tpu.wait_dma2 semaphore(%dma_wait3A_36 : memref<!tpu.dma_semaphore, #tpu.memory_space<semaphore_mem>>) src(%dma_wait3A_47 : memref<128x64xf32, #tpu.memory_space<hbm>>) dst(%dma_wait3A_40 : memref<128x64xf32, #tpu.memory_space<vmem>>)
      %dma_start3A = arith.constant 0 : i32
      %dma_start3A_48 = arith.constant 0 : i32
      %dma_start3A_49 = tpu.memref_slice %arg6[%rem3A_23, %dma_start3A, %dma_start3A_48] : memref<6x128x64xf32, #tpu.memory_space<vmem>> -> memref<1x128x64xf32, #tpu.memory_space<vmem>>
      %dma_start3A_50 = tpu.memref_squeeze %dma_start3A_49 : memref<1x128x64xf32, #tpu.memory_space<vmem>> -> memref<128x64xf32, #tpu.memory_space<vmem>>
      %dma_start3A_51 = arith.constant 0 : i32
      %dma_start3A_52 = tpu.memref_slice %arg4[%add3A_22, %mul3A_2, %dma_start3A_51] : memref<26x4096x64xf32, #tpu.memory_space<hbm>> -> memref<1x128x64xf32, #tpu.memory_space<hbm>>
      %dma_start3A_53 = tpu.memref_squeeze %dma_start3A_52 : memref<1x128x64xf32, #tpu.memory_space<hbm>> -> memref<128x64xf32, #tpu.memory_space<hbm>>
      %dma_start3A_54 = tpu.memref_slice %arg8[%rem3A_23] : memref<6x!tpu.dma_semaphore, #tpu.memory_space<semaphore_mem>> -> memref<1x!tpu.dma_semaphore, #tpu.memory_space<semaphore_mem>>
      %dma_start3A_55 = tpu.memref_squeeze %dma_start3A_54 : memref<1x!tpu.dma_semaphore, #tpu.memory_space<semaphore_mem>> -> memref<!tpu.dma_semaphore, #tpu.memory_space<semaphore_mem>>
      %dma_start3A_56 = arith.constant 0 : i32
      %dma_start3A_57 = tpu.memref_slice %arg4[%add3A_22, %mul3A_2, %dma_start3A_56] : memref<26x4096x64xf32, #tpu.memory_space<hbm>> -> memref<1x128x64xf32, #tpu.memory_space<hbm>>
      %dma_start3A_58 = tpu.memref_squeeze %dma_start3A_57 : memref<1x128x64xf32, #tpu.memory_space<hbm>> -> memref<128x64xf32, #tpu.memory_space<hbm>>
      %dma_start3A_59 = arith.constant 0 : i32
      %dma_start3A_60 = arith.constant 0 : i32
      %dma_start3A_61 = tpu.memref_slice %arg6[%rem3A_23, %dma_start3A_59, %dma_start3A_60] : memref<6x128x64xf32, #tpu.memory_space<vmem>> -> memref<1x128x64xf32, #tpu.memory_space<vmem>>
      %dma_start3A_62 = tpu.memref_squeeze %dma_start3A_61 : memref<1x128x64xf32, #tpu.memory_space<vmem>> -> memref<128x64xf32, #tpu.memory_space<vmem>>
      tpu.enqueue_dma source(%dma_start3A_62 : memref<128x64xf32, #tpu.memory_space<vmem>>) target(%dma_start3A_58 : memref<128x64xf32, #tpu.memory_space<hbm>>) target_semaphore(%dma_start3A_55 : memref<!tpu.dma_semaphore, #tpu.memory_space<semaphore_mem>>)
    }
    %scan3A_13 = arith.constant 3 : i32
    %scan3A_14 = arith.constant 0 : i32
    %scan3A_15 = arith.constant 0 : i32
    %scan3A_16 = arith.constant 6 : i32
    %scan3A_17 = arith.addi %scan3A_15, %scan3A_16 : i32
    %scan3A_18 = arith.constant 1 : i32
    scf.for %scan3A_20 = %scan3A_15 to %scan3A_17 step %scan3A_18  : i32 {
      %add3A_21 = arith.constant 20 : i32
      %add3A_22 = arith.addi %add3A_21, %scan3A_20 : i32
      %rem3A = arith.constant 6 : i32
      %rem3A_23 = arith.remsi %add3A_22, %rem3A : i32
      %dma_wait3A = arith.constant 0 : i32
      %dma_wait3A_24 = arith.constant 0 : i32
      %dma_wait3A_25 = tpu.memref_slice %arg6[%rem3A_23, %dma_wait3A, %dma_wait3A_24] : memref<6x128x64xf32, #tpu.memory_space<vmem>> -> memref<1x128x64xf32, #tpu.memory_space<vmem>>
      %dma_wait3A_26 = tpu.memref_squeeze %dma_wait3A_25 : memref<1x128x64xf32, #tpu.memory_space<vmem>> -> memref<128x64xf32, #tpu.memory_space<vmem>>
      %dma_wait3A_27 = arith.constant 0 : i32
      %dma_wait3A_28 = tpu.memref_slice %arg4[%add3A_22, %mul3A_2, %dma_wait3A_27] : memref<26x4096x64xf32, #tpu.memory_space<hbm>> -> memref<1x128x64xf32, #tpu.memory_space<hbm>>
      %dma_wait3A_29 = tpu.memref_squeeze %dma_wait3A_28 : memref<1x128x64xf32, #tpu.memory_space<hbm>> -> memref<128x64xf32, #tpu.memory_space<hbm>>
      %dma_wait3A_30 = tpu.memref_slice %arg8[%rem3A_23] : memref<6x!tpu.dma_semaphore, #tpu.memory_space<semaphore_mem>> -> memref<1x!tpu.dma_semaphore, #tpu.memory_space<semaphore_mem>>
      %dma_wait3A_31 = tpu.memref_squeeze %dma_wait3A_30 : memref<1x!tpu.dma_semaphore, #tpu.memory_space<semaphore_mem>> -> memref<!tpu.dma_semaphore, #tpu.memory_space<semaphore_mem>>
      %dma_wait3A_32 = arith.constant 0 : i32
      %dma_wait3A_33 = tpu.memref_slice %arg4[%add3A_22, %mul3A_2, %dma_wait3A_32] : memref<26x4096x64xf32, #tpu.memory_space<hbm>> -> memref<1x128x64xf32, #tpu.memory_space<hbm>>
      %dma_wait3A_34 = tpu.memref_squeeze %dma_wait3A_33 : memref<1x128x64xf32, #tpu.memory_space<hbm>> -> memref<128x64xf32, #tpu.memory_space<hbm>>
      %dma_wait3A_35 = arith.constant 0 : i32
      %dma_wait3A_36 = arith.constant 0 : i32
      %dma_wait3A_37 = tpu.memref_slice %arg6[%rem3A_23, %dma_wait3A_35, %dma_wait3A_36] : memref<6x128x64xf32, #tpu.memory_space<vmem>> -> memref<1x128x64xf32, #tpu.memory_space<vmem>>
      %dma_wait3A_38 = tpu.memref_squeeze %dma_wait3A_37 : memref<1x128x64xf32, #tpu.memory_space<vmem>> -> memref<128x64xf32, #tpu.memory_space<vmem>>
      tpu.wait_dma2 semaphore(%dma_wait3A_31 : memref<!tpu.dma_semaphore, #tpu.memory_space<semaphore_mem>>) src(%dma_wait3A_38 : memref<128x64xf32, #tpu.memory_space<vmem>>) dst(%dma_wait3A_34 : memref<128x64xf32, #tpu.memory_space<hbm>>)
    }
    %scan3A_19 = arith.constant 6 : i32
    return
  }
}

</mosaic_0001>

<sc_bundles>
// kernel: kernel.3.cloned.1.call-start
scs
__scs_entry_jumppad:
0x0: {  	(pc) =	sbr.rel $0x88, $3  }
0x1: {  	(tag) =	ssettag $0x0;
	lr =	simm.s32 $0x1  }
0x2: {  	[smem:$0x3F9F] =	sst lr;
	_ =	strace $0xD0000000  }
0x3: {  	_ = 	snop  }
0x4: {  	_ = 	snop  }
0x5: {  	_ = 	snop  }
0x6: {  	_ = 	snop  }
0x7: {  	_ = 	snop  }
__scs_overlays_trampoline_lowered:
0x8: {  	[smem:$0x3FAE] =	sst s0  }
0x9: {  	[smem:$0x3FAF] =	sst s1  }
0xa: {  	[smem:$0x3FB0] =	sst s2  }
0xb: {  	[smem:$0x3FB1] =	sst s3  }
0xc: {  	[smem:$0x3FB2] =	sst s4  }
0xd: {  	[smem:$0x3FB3] =	sst s5  }
0xe: {  	[smem:$0x3FB4] =	sst s6  }
0xf: {  	[smem:$0x3FB5] =	sst s7  }
0x10: {  	[smem:$0x3FB6] =	sst s8  }
0x11: {  	[smem:$0x3FB7] =	sst s9;
	s0 =	simm.s32 @!p0 $0x0  }
0x12: {  	s1 =	sld [smem:$0x3F9D];
	s0 =	simm.s32 @p0 $0x1  }
0x13: {  	[smem:$0x3FB8] =	sst s0;
	s0 =	simm.s32 @!p1 $0x0  }
0x14: {  	s2 =	sld [smem:$0x3F9C];
	s0 =	simm.s32 @p1 $0x1  }
0x15: {  	[smem:$0x3FB9] =	sst s0;
	s0 =	simm.s32 @!p2 $0x0  }
0x16: {  	s3 =	sld [smem:$0x3FDB];
	s0 =	simm.s32 @p2 $0x1  }
0x17: {  	s4 =	simm.s32 $0x1BF5;
	[smem:$0x3FBB] =	sst s0  }
0x18: {  	s0 =	sld [smem:$0x3F9E];
	_ =	swait.ge [sflag:s4], $0x0  }
0x19: {  	s7 =	sld [smem:$0x3F9F]  }
0x1a: {  	s8 =	sadd.s32 $0xFFFFE003, lr  }
0x1b: {  	s9 =	sadd.s32 $0xFFFFFEF7, lr;
	s5 =	simm.s32 $0xFFFFFFFF;
	p2 =	slt.u32 s8, $0xFFFFF086  }
0x1c: {  	p1 =	slt.u32 s9, $0xF7A;
	s5 =	simm.s32 @!p2 $0x0  }
0x1d: {  	s5 =	simm.s32 @p1 $0x1;
	p0 =	seq.s32 s7, s2  }
0x1e: {  	s7 =	smul.u32 @!p0 $0xF7A, s2;
	p2 =	seq.s32 @!p0 s5, $0x0  }
0x1f: {  	s9 =	smul.u32 $0xF7A, s1;
	s8 =	simm.s32 @!p0 $0x1BF5;
	p2 =	por !p2, p0  }
0x20: {  	[sflag:s8] =	ssyncset.s32 @!p0 $0xFFFFF086;
	s6 =	sadd.s32 @!p0 s3, s7;
	s7 =	simm.s32 @!p0 $0x108  }
0x21: {  	s3 =	sadd.s32 s3, s9;
	s6 =	sadd.s32 @!p0 $0x88, s6;
	s7 =	simm.s32 @p2 $0x1082  }
0x22: {  	[simem:s7], [sflag:s8] =	dma.local @!p0 [hbm:s6], $0xF7A  }
0x23: {  	s9 =	sor.u32 $0xD0000000, s2;
	s6 =	simm.s32 $0x108;
	_ =	swait.ge @!p0 [sflag:s8], $0x0  }
0x24: {  	s3 =	sadd.s32 $0x88, s3;
	s6 =	simm.s32 @!p1 $0x1082;
	[sflag:s4] =	ssyncset.s32 $0xFFFFF086  }
0x25: {  	[simem:s6], [sflag:s4] =	dma.local [hbm:s3], $0xF7A  }
0x26: {  	[smem:$0x3F9F] =	sst s1;
	(tag) =	ssettag s2;
	_ =	strace s9  }
0x27: {  	s1 =	sld [smem:$0x3FAF]  }
0x28: {  	s2 =	sld [smem:$0x3FB0]  }
0x29: {  	s4 =	sld [smem:$0x3FB2]  }
0x2a: {  	p0 =	seq.s32 s5, $0x0;
	s5 =	sld [smem:$0x3FB3]  }
0x2b: {  	s6 =	sld [smem:$0x3FB4]  }
0x2c: {  	s7 =	sld [smem:$0x3FB5]  }
0x2d: {  	s3 =	simm.s32 $0x108;
	s8 =	sld [smem:$0x3FB6]  }
0x2e: {  	s3 =	simm.s32 @!p0 $0x1082;
	s9 =	sld [smem:$0x3FB7]  }
0x2f: {  	lr =	sadd.s32 s0, s3;
	s0 =	sld [smem:$0x3FAE]  }
0x30: {  	s3 =	sld [smem:$0x3FB1]  }
0x31: {  	[smem:$0x3FBA] =	sst s10  }
0x32: {  	s10 =	sld [smem:$0x3FB8];
	_ =	sdelay $0x3  }
0x33: {  	p0 =	seq.s32 s10, $0x1;
	s10 =	sld [smem:$0x3FBA];
	_ =	sdelay $0x3  }
0x34: {  	[smem:$0x3FBA] =	sst s10  }
0x35: {  	s10 =	sld [smem:$0x3FB9];
	_ =	sdelay $0x3  }
0x36: {  	p1 =	seq.s32 s10, $0x1;
	s10 =	sld [smem:$0x3FBA];
	_ =	sdelay $0x3  }
0x37: {  	[smem:$0x3FBA] =	sst s10  }
0x38: {  	s10 =	sld [smem:$0x3FBB]  }
0x39: {  	_ = 	snop;
	(pc) =	sbr.ind lr, $3  }
0x3a: {  	_ = 	snop  }
0x3b: {  	_ = 	snop  }
0x3c: {  	p2 =	seq.s32 s10, $0x1;
	s10 =	sld [smem:$0x3FBA]  }
0x3d: {  	_ =	shalt  }
0x3e: {  	_ =	shalt  }
0x3f: {  	_ =	shalt  }
0x40: {  	_ =	shalt  }
0x41: {  	_ =	shalt  }
0x42: {  	_ =	shalt  }
0x43: {  	_ =	shalt  }
0x44: {  	_ =	shalt  }
0x45: {  	_ =	shalt  }
0x46: {  	_ =	shalt  }
0x47: {  	_ =	shalt  }
0x48: {  	_ =	shalt  }
0x49: {  	_ =	shalt  }
0x4a: {  	_ =	shalt  }
0x4b: {  	_ =	shalt  }
0x4c: {  	_ =	shalt  }
0x4d: {  	_ =	shalt  }
0x4e: {  	_ =	shalt  }
0x4f: {  	_ =	shalt  }
0x50: {  	_ =	shalt  }
0x51: {  	_ =	shalt  }
0x52: {  	_ =	shalt  }
0x53: {  	_ =	shalt  }
0x54: {  	_ =	shalt  }
0x55: {  	_ =	shalt  }
0x56: {  	_ =	shalt  }
0x57: {  	_ =	shalt  }
0x58: {  	_ =	shalt  }
0x59: {  	_ =	shalt  }
0x5a: {  	_ =	shalt  }
0x5b: {  	_ =	shalt  }
0x5c: {  	_ =	shalt  }
0x5d: {  	_ =	shalt  }
0x5e: {  	_ =	shalt  }
0x5f: {  	_ =	shalt  }
0x60: {  	_ =	shalt  }
0x61: {  	_ =	shalt  }
0x62: {  	_ =	shalt  }
0x63: {  	_ =	shalt  }
0x64: {  	_ =	shalt  }
0x65: {  	_ =	shalt  }
0x66: {  	_ =	shalt  }
0x67: {  	_ =	shalt  }
0x68: {  	_ =	shalt  }
0x69: {  	_ =	shalt  }
0x6a: {  	_ =	shalt  }
0x6b: {  	_ =	shalt  }
0x6c: {  	_ =	shalt  }
0x6d: {  	_ =	shalt  }
0x6e: {  	_ =	shalt  }
0x6f: {  	_ =	shalt  }
0x70: {  	_ =	shalt  }
0x71: {  	_ =	shalt  }
0x72: {  	_ =	shalt  }
0x73: {  	_ =	shalt  }
0x74: {  	_ =	shalt  }
0x75: {  	_ =	shalt  }
0x76: {  	_ =	shalt  }
0x77: {  	_ =	shalt  }
0x78: {  	_ =	shalt  }
0x79: {  	_ =	shalt  }
0x7a: {  	_ =	shalt  }
0x7b: {  	_ =	shalt  }
0x7c: {  	_ =	shalt  }
0x7d: {  	_ =	shalt  }
0x7e: {  	_ =	shalt  }
0x7f: {  	_ =	shalt  }
0x80: {  	_ =	shalt  }
0x81: {  	_ =	shalt  }
0x82: {  	_ =	shalt  }
0x83: {  	_ =	shalt  }
0x84: {  	_ =	shalt  }
0x85: {  	_ =	shalt  }
0x86: {  	_ =	shalt  }
0x87: {  	_ =	shalt  }
.Lfunc_end0:
.L_simem_size_0:
called_computation_lowered:
.L_overlay_start_0:
0x88: {  	s2 =	sld [smem:$0x3FD9]  }
0x89: {  	s3 =	sld [smem:$0x3FFE];
	_ =	sdelay $0x1  }
0x8a: {  	s1 =	srdreg.scid  }
0x8b: {  	s0 =	sand.u32 $0x1, s1  }
0x8c: {  	s17 =	sshll.u32 s0, $0xA;
	s2 =	sadd.s32 s3, s2  }
0x8d: {  	s2 =	sadd.s32 s2, s17  }
0x8e: {  	[smem:$0x3FC6] =	sst s2  }
0x8f: {  	_ = 	snop  }
0x90: {  	s2 =	sld [smem:$0x3FC9];
	(tm) =	ssettm $0x1  }
0x91: {  	s18 =	sld [smem:$0x3FFB];
	_ =	sdelay $0x3  }
0x92: {  	_ =	strace s18  }
0x93: {  	s3 =	sld [smem:$0x3FFC];
	_ =	sdelay $0x3  }
0x94: {  	_ =	strace s3  }
0x95: {  	s3 =	sld [smem:$0x3FFD];
	_ =	sdelay $0x3  }
0x96: {  	_ =	strace s3  }
0x97: {  	_ =	strace $0x8FFFFFFF  }
0x98: {  	s19 =	sld [smem:$0x3FDB];
	_ =	sdelay $0x1  }
0x99: {  	s4 =	simm.s32 $_scs_section_size  }
0x9a: {  	s5 =	simm.s32 $_size__tile_overlayer_lowered;
	s6 =	simm.s32 $_tile_overlayer_lowered  }
0x9b: {  	s22 =	simm.s32 $0x1BFF;
	s21 =	sshll.u32 s6, $0x1;
	s3 =	sadd.s32 s4, s19  }
0x9c: {  	s7 =	simm.s32 $0x0;
	s20 =	sshll.u32 s5, $0x1;
	s5 =	sadd.s32 s21, s3  }
0x9d: {  	[timem:s7], [sflag:s22] =	dma.local [hbm:s5], s20  }
0x9e: {  	_ =	swait.ge [sflag:s22], s20  }
0x9f: {  	s4 =	ssub.s32 $0x0, s20;
	[sflag:s22] =	ssyncset.done $0x0  }
0xa0: {  	[sflag:s22] =	ssyncadd.s32 s4;
	_ =	sdelay $0x1  }
0xa1: {  	s23 =	simm.s32 $0x1B8B  }
0xa2: {  	_ =	swait.ge [sflag:s23], $0x1  }
0xa3: {  	[sflag:s23] =	ssyncset.done $0x0  }
0xa4: {  	s25 =	simm.s32 $0x1B8E;
	s24 =	sld [smem:$0x3FFE];
	[sflag:s23] =	ssyncadd.s32 $0xFFFFFFFF  }
0xa5: {  	s26 =	simm.s32 $execute0_lowered;
	[smem:$0x3FD2] =	sst s25  }
0xa6: {  	s5 =	sshll.u32 s26, $0x1;
	_ =	strace $0x80000046;
	[dreg:$0x1] =	wrdreg $0xFFFFFFFF  }
0xa7: {  	s28 =	simm.s32 $_size_execute0_lowered;
	s3 =	sadd.s32 s3, s5;
	[dreg:$0x0] =	wrdreg $0x0  }
0xa8: {  	s5 =	sshll.u32 s28, $0x1;
	[dreg:$0x2] =	wrdreg s3  }
0xa9: {  	[dreg:$0x3] =	wrdreg s5  }
0xaa: {  	[dreg:$0x4] =	wrdreg $0xC0  }
0xab: {  	_ =	task [dreg:s7], $0x5FFFF  }
0xac: {  	[dreg:$0x1] =	wrdreg $0xFFFFFFFF  }
0xad: {  	[dreg:$0x0] =	wrdreg $0x60  }
0xae: {  	[dreg:$0x2] =	wrdreg s2  }
0xaf: {  	[dreg:$0x3] =	wrdreg s24  }
0xb0: {  	[dreg:$0x4] =	wrdreg $0x9  }
0xb1: {  	_ =	task.clear_ibuf [dreg:s7], $0x5FFFF;
	_ =	strace $0x90000046  }
0xb2: {  	s29 =	simm.s32 $0x9;
	_ =	strace $0x80000048  }
0xb3: {  	_ =	swait.ge [sflag:s29], $0x1  }
0xb4: {  	[sflag:s29] =	ssyncadd.s32 $0xFFFFFFFF  }
0xb5: {  	_ =	strace $0x90000048  }
0xb6: {  	_ =	sfence  }
0xb7: {  	s30 =	sld [smem:$0x0];
	_ =	sdelay $0x2  }
0xb8: {  	s31 =	sshll.u32 s1, $0xD;
	s1 =	sshrl.u32 s1, $0x2  }
0xb9: {  	s3 =	sand.u32 $0x4000, s31;
	s1 =	sadd.s32 s1, s30  }
0xba: {  	s0 =	sor.u32 s3, s0;
	s1 =	sshll.u32 s1, $0x11  }
0xbb: {  	s0 =	sor.u32 s1, s0  }
0xbc: {  	s0 =	sadd.s32 $0x8F2B, s0  }
0xbd: {  	[sflag:s0] =	ssyncadd.remote.s32 $0x1  }
0xbe: {  	_ =	sfence.sel $0xFFFF  }
0xbf: {  	[dreg:$0x0] =	wrdreg $0xFFFFFFFF;
	(pc) =	sbr.abs _section_cstart, $3  }
0xc0: {  	[dreg:$0x1] =	wrdreg $0xFFFFFFFF  }
0xc1: {  	_ =	task.clear_ibuf [dreg:s7], $0x2FFFF;
	_ =	strace $0x9FFFFFFF  }
0xc2: {  	(tm) =	ssettm $0x7FFFFFFF  }
0xc3: {  	_ =	shalt  }
tec
execute0_lowered:
.L_overlay_start_1:
0x0: {  	(tag) =	ssettag $0x1  }
0x1: {  	s0 =	rddreg [dreg:$0x0]  }
0x2: {  	s2 =	rddreg [dreg:$0x1]  }
0x3: {  	s1 =	simm.s32 $0x0;
	s4 =	srdreg.scid;
	s6 =	stileid.u32  }
0x4: {  	[smem:$0x7FF] =	sst s1;
	s3 =	sadd.s32 $0x400, s2;
	s4 =	sand.u32 $0x1, s4  }
0x5: {  	s6 =	sshll.u32 s6, $0x8;
	s5 =	ssub.s32 $0x2, s4;
	s7 =	sshll.u32 s4, $0x7  }
0x6: {  	_ =	strace $0x80000047;
	s24 =	sshrl.u32 s5, $0x1;
	s6 =	sor.u32 s7, s6  }
0x7: {  	s4 =	sadd.s32 $0x27AD600, s2;
	s2 =	ssub.s32 s5, s24;
	s25 =	sadd.s32 s0, s6  }
0x8: {  	vm0 =	vmmov $0x1;
	s26 =	sshll.u32 s6, $0x4;
	[dreg:$0x4] =	wrdreg s25;
	s5 =	sadd.s32 $0x3000, s25  }
0x9: {  	vm1 =	vcmask $0x308;
	vm2 =	vcmask $0x70C;
	vm3 =	vcmask $0xB10;
	s0 =	sadd.s32 s4, s26;
	s2 =	smax.u32 s2, $0x1;
	[dreg:$0x5] =	wrdreg s5  }
0xa: {  	vm4 =	vcmask $0xF14;
	vm5 =	vcmask $0x1318;
	vm6 =	vcmask $0x171C;
	[dreg:$0x6] =	wrdreg s2;
	s30 =	sadd.s32 $0x170000, s0  }
0xb: {  	vm7 =	vcmask $0x1B20;
	vm8 =	vcmask $0x1F24;
	vm9 =	vcmask $0x2328;
	s31 =	sadd.s32 $0x180000, s0;
	[dreg:$0x7] =	wrdreg s30  }
0xc: {  	vm10 =	vcmask $0x272C;
	vm11 =	vcmask $0x2B30;
	vm12 =	vcmask $0x2F34;
	s28 =	simm.s32 $0x8;
	s0 =	sadd.s32 $0x190000, s0;
	[dreg:$0x8] =	wrdreg s31  }
0xd: {  	vm13 =	vcmask $0x3338;
	vm14 =	vcmask $0x373C;
	vm15 =	vmmov $0x7fff;
	s29 =	simm.s32 $0x0;
	s7 =	sshll.u32 s6, $0x7;
	[dreg:$0x9] =	wrdreg s0  }
.LBB2_1:
0xe: {  	s0 =	rddreg [dreg:$0x4];
	s2 =	simm.s32 $0x400;
	s5 =	simm.s32 $0x8000  }
0xf: {  	[tilespmem:s1], [sflag:$0xD] =	stream.strided.gather [hbm4b:s0+s2], $0xC00, s5, s2, $0x38;
	[tilespmem:$0x19000] =	vst v63  }
0x10: {  	s24 =	rddreg [dreg:$0x5];
	s25 =	simm.s32 $0xC00;
	s26 =	simm.s32 $0xD  }
0x11: {  	[tilespmem:s25], [sflag:$0xD] =	stream.linear.gather [hbm4b:s24+s1], $0x100, $0x38;
	[tilespmem:$0x19000] =	vst v63  }
0x12: {  	_ =	swait.ge [sflag:s26], $0xD00  }
0x13: {  	s30 =	simm.s32 $0x0;
	[sflag:s26] =	ssyncset.done $0x0  }
0x14: {  	s31 =	simm.s32 $0x1000;
	s0 =	simm.s32 $0x0;
	[sflag:s26] =	ssyncadd.s32 $0xFFFFF300  }
.LBB2_2:
0x15: {  	s2 =	smulhi.u32 $0xAAAAAAAB, s0  }
0x16: {  	s5 =	smul.u32 $0xAB, s0;
	_ =	sdelay $0x1  }
0x17: {  	s2 =	sshrl.u32 s2, $0x2;
	s5 =	sshrl.u32 s5, $0xA  }
0x18: {  	s2 =	smul.u32 $0xFFFA0000, s2;
	s5 =	sand.u32 $0x3F, s5  }
0x19: {  	s5 =	smul.u32 $0x6, s5;
	_ =	sdelay $0x1  }
0x1a: {  	s2 =	sshra.s32 s2, $0x2;
	s5 =	ssub.s32 s0, s5  }
0x1b: {  	p0 =	slt.u32 s0, $0x6;
	s2 =	sadd.s32 s2, s31;
	s5 =	sand.u32 $0xFF, s5  }
0x1c: {  	[dreg:$0x3] =	wrdreg s2;
	s2 =	sadd.s32 @!p0 $0x7, s5  }
0x1d: {  	_ =	swait.ge @!p0 [sflag:s2], $0x4000  }
0x1e: {  	[sflag:s2] =	ssyncset.done @!p0 $0x0  }
0x1f: {  	[sflag:s2] =	ssyncadd.s32 @!p0 $0xFFFFC000  }
0x20: {  	v1 =	vld [tilespmem:s30+$0x0];
	_ =	sdelay $0x4  }
0x21: {  	v0 =	vsel vm2, $0x0, v1  }
0x22: {  	v2 =	vsel vm1, $0x0, v1;
	(xrf0) =	vadd.scan.msk.s32 $0xffff, v0  }
0x23: {  	v0 =	vnsel vm0, $0x0, v1;
	(xrf0) =	vadd.scan.msk.s32 $0xffff, v2  }
0x24: {  	(xrf0) =	vadd.scan.msk.s32 $0xffff, v0  }
0x25: {  	v0 =	vsel vm6, $0x0, v1  }
0x26: {  	(xrf0) =	vadd.scan.msk.s32 $0xffff, v0;
	v0 =	vsel vm7, $0x0, v1  }
0x27: {  	v3 =	vsel vm14, $0x0, v1  }
0x28: {  	v2, _, _ =	vpop (xrf0)  }
0x29: {  	(xrf0) =	vadd.scan.msk.s32 $0xffff, v0;
	v0, _, _ =	vpop (xrf0);
	(v2sf) =	vpush v2, $0xF  }
0x2a: {  	v2 =	vsel vm5, $0x0, v1;
	(xrf0) =	vadd.scan.msk.s32 $0xffff, v3;
	v3, _, _ =	vpop (xrf0);
	(v2sf) =	vpush v0, $0xF;
	v0 =	vsel vm4, $0x0, v1  }
0x2b: {  	(xrf0) =	vadd.scan.msk.s32 $0xffff, v2;
	(v2sf) =	vpush v3, $0xF  }
0x2c: {  	(xrf0) =	vadd.scan.msk.s32 $0xffff, v0  }
0x2d: {  	v0, _, _ =	vpop (xrf0)  }
0x2e: {  	(v2sf) =	vpush v0, $0xF  }
0x2f: {  	v2 =	vsel vm3, $0x0, v1;
	v0, _, _ =	vpop (xrf0)  }
0x30: {  	(v2sf) =	vpush v0, $0xF;
	v0, _, _ =	vpop (xrf0)  }
0x31: {  	v3, _, _ =	vpop (xrf0)  }
0x32: {  	v4 =	vsel vm8, $0x0, v1;
	(xrf0) =	vadd.scan.msk.s32 $0xffff, v2;
	v2, _, _ =	vpop (xrf0)  }
0x33: {  	v5 =	vsel vm11, $0x0, v1;
	(xrf0) =	vadd.scan.msk.s32 $0xffff, v4;
	(v2sf) =	vpush v2, $0xF  }
0x34: {  	s8 =	smul.u32 $0x186A80, s0;
	(xrf0) =	vadd.scan.msk.s32 $0xffff, v5;
	v2 =	vsel vm9, $0x0, v1  }
0x35: {  	s14 =	simm.s32 $0x2000;
	s6 =	rddreg [dreg:$0x3];
	v61 =	vsel vm10, $0x0, v1;
	(xrf0) =	vadd.scan.msk.s32 $0xffff, v2;
	v2 =	vsel vm13, $0x0, v1  }
0x36: {  	s17 =	sadd.s32 $0x10, s30;
	s12 =	sadd.s32 s3, s8;
	s13 =	sadd.s32 $0x0, s6;
	(xrf0) =	vadd.scan.msk.s32 $0xffff, v61  }
0x37: {  	s2 =	sadd.s32 $0x1, s5;
	s18 =	sadd.s32 $0x80, s13;
	s19 =	sadd.s32 $0x380, s13;
	v62 =	vsel vm12, $0x0, v1;
	(xrf0) =	vadd.scan.msk.s32 $0xffff, v2  }
0x38: {  	s21 =	sadd.s32 $0x300, s13;
	s11 =	sadd.s32 $0x100, s13;
	v2, _, _ =	vpop (xrf0);
	(xrf0) =	vadd.scan.msk.s32 $0xffff, v62;
	s16 =	spop (v2sf)  }
0x39: {  	s10 =	sadd.s32 $0x280, s13;
	s15 =	sadd.s32 $0x180, s13;
	v63, _, _ =	vpop (xrf0);
	s20 =	spop (v2sf)  }
0x3a: {  	s5 =	sadd.s32 $0x200, s13;
	s6 =	sadd.s32 $0x600, s13;
	v5, _, _ =	vpop (xrf0);
	s22 =	spop (v2sf)  }
0x3b: {  	s9 =	sadd.s32 $0x500, s13;
	s8 =	sadd.s32 $0x580, s13;
	v1 =	vsel vm15, $0x0, v1;
	v6, _, _ =	vpop (xrf0);
	s22 =	sshll.u32 s22, $0x4  }
0x3c: {  	(xrf0) =	vadd.scan.msk.s32 $0xffff, v1;
	(v2sf) =	vpush v2, $0xF;
	s23 =	sshll.u32 s16, $0x4;
	v7, _, _ =	vpop (xrf0);
	s24 =	sshll.u32 s20, $0x4;
	s25 =	sand.u32 $0x1FFFFFF0, s22  }
0x3d: {  	(v2sf) =	vpush v3, $0xF;
	v2, _, _ =	vpop (xrf0);
	s26 =	sand.u32 $0x1FFFFFF0, s24;
	s24 =	spop (v2sf);
	s20 =	sadd.s32 s12, s25  }
0x3e: {  	(v2sf) =	vpush v5, $0xF;
	v1, _, _ =	vpop (xrf0);
	[tilespmem:s13], [sflag:s2] =	stream.linear.gather [hbm4b:s20+s1], $0x80, $0x38;
	[tilespmem:$0x19000] =	vst v63  }
0x3f: {  	s16 =	sadd.s32 $0x480, s13;
	s23 =	sand.u32 $0x1FFFFFF0, s23;
	(v2sf) =	vpush v1, $0xF;
	s25 =	spop (v2sf)  }
0x40: {  	s22 =	sadd.s32 s12, s26;
	(v2sf) =	vpush v63, $0xF;
	s26 =	sshll.u32 s24, $0x4;
	s20 =	sshll.u32 s25, $0x4  }
0x41: {  	(v2sf) =	vpush v6, $0xF;
	[tilespmem:s18], [sflag:s2] =	stream.linear.gather [hbm4b:s22+s1], $0x80, $0x38;
	[tilespmem:$0x19000] =	vst v63  }
0x42: {  	v1, _, _ =	vpop (xrf0);
	s22 =	sand.u32 $0x1FFFFFF0, s26;
	s20 =	sand.u32 $0x1FFFFFF0, s20;
	(v2sf) =	vpush v7, $0xF;
	s24 =	spop (v2sf)  }
.LBB2_3:
0x43: {  	_ =	sdelay $0x5  }
0x44: {  	s23 =	sadd.s32 s12, s23  }
0x45: {  	[tilespmem:s11], [sflag:s2] =	stream.linear.gather [hbm4b:s23+s1], $0x80, $0x38;
	[tilespmem:$0x19000] =	vst v63  }
0x46: {  	s18 =	sshll.u32 s24, $0x4;
	s25 =	spop (v2sf)  }
0x47: {  	s24 =	sadd.s32 $0x400, s13;
	s25 =	sshll.u32 s25, $0x4;
	s26 =	spop (v2sf);
	(v2sf) =	vpush v0, $0xF  }
0x48: {  	s18 =	sand.u32 $0x1FFFFFF0, s18;
	s25 =	sand.u32 $0x1FFFFFF0, s25;
	s26 =	sshll.u32 s26, $0x4  }
0x49: {  	s25 =	sadd.s32 s12, s25;
	s23 =	sand.u32 $0x1FFFFFF0, s26;
	s26 =	spop (v2sf);
	(v2sf) =	vpush v2, $0xF  }
0x4a: {  	[tilespmem:s15], [sflag:s2] =	stream.linear.gather [hbm4b:s25+s1], $0x80, $0x38;
	[tilespmem:$0x19000] =	vst v63  }
0x4b: {  	s18 =	sadd.s32 s12, s18;
	s25 =	sshll.u32 s26, $0x4;
	s26 =	spop (v2sf)  }
0x4c: {  	[tilespmem:s5], [sflag:s2] =	stream.linear.gather [hbm4b:s18+s1], $0x80, $0x38;
	[tilespmem:$0x19000] =	vst v63  }
0x4d: {  	s23 =	sadd.s32 s12, s23;
	(v2sf) =	vpush v1, $0xF;
	s11 =	sand.u32 $0x1FFFFFF0, s25;
	s18 =	spop (v2sf)  }
0x4e: {  	s25 =	sshll.u32 s26, $0x4;
	s26 =	sadd.s32 s12, s22;
	s15 =	sshll.u32 s18, $0x4  }
0x4f: {  	[tilespmem:s10], [sflag:s2] =	stream.linear.gather [hbm4b:s23+s1], $0x80, $0x38;
	[tilespmem:$0x19000] =	vst v63  }
0x50: {  	s22 =	spop (v2sf);
	s10 =	sand.u32 $0x1FFFFFF0, s25;
	s23 =	sand.u32 $0x1FFFFFF0, s15  }
0x51: {  	[tilespmem:s21], [sflag:s2] =	stream.linear.gather [hbm4b:s26+s1], $0x80, $0x38;
	[tilespmem:$0x19000] =	vst v63  }
0x52: {  	s25 =	sshll.u32 s22, $0x4;
	s21 =	sadd.s32 s12, s20;
	s26 =	spop (v2sf)  }
0x53: {  	[tilespmem:s19], [sflag:s2] =	stream.linear.gather [hbm4b:s21+s1], $0x80, $0x38;
	[tilespmem:$0x19000] =	vst v63  }
0x54: {  	s5 =	sadd.s32 s12, s23;
	s15 =	sand.u32 $0x1FFFFFF0, s25;
	s18 =	sshll.u32 s26, $0x4  }
0x55: {  	[tilespmem:s24], [sflag:s2] =	stream.linear.gather [hbm4b:s5+s1], $0x80, $0x38;
	[tilespmem:$0x19000] =	vst v63  }
0x56: {  	s15 =	sadd.s32 s12, s15;
	s19 =	sand.u32 $0x1FFFFFF0, s18;
	s20 =	spop (v2sf)  }
0x57: {  	[tilespmem:s16], [sflag:s2] =	stream.linear.gather [hbm4b:s15+s1], $0x80, $0x38;
	[tilespmem:$0x19000] =	vst v63  }
0x58: {  	s21 =	sadd.s32 s12, s19;
	s24 =	sadd.s32 s12, s11;
	s23 =	spop (v2sf)  }
0x59: {  	[tilespmem:s9], [sflag:s2] =	stream.linear.gather [hbm4b:s21+s1], $0x80, $0x38;
	[tilespmem:$0x19000] =	vst v63  }
0x5a: {  	s15 =	sadd.s32 $0x680, s13;
	s22 =	sshll.u32 s20, $0x4;
	s25 =	sshll.u32 s23, $0x4  }
0x5b: {  	[tilespmem:s8], [sflag:s2] =	stream.linear.gather [hbm4b:s24+s1], $0x80, $0x38;
	[tilespmem:$0x19000] =	vst v63  }
0x5c: {  	s8 =	sadd.s32 s12, s10;
	s9 =	sand.u32 $0x1FFFFFF0, s25;
	s10 =	spop (v2sf)  }
0x5d: {  	[tilespmem:s6], [sflag:s2] =	stream.linear.gather [hbm4b:s8+s1], $0x80, $0x38;
	[tilespmem:$0x19000] =	vst v63  }
0x5e: {  	s26 =	sand.u32 $0x1FFFFFF0, s22;
	s16 =	sadd.s32 s12, s9;
	s18 =	sshll.u32 s10, $0x4  }
0x5f: {  	[tilespmem:s15], [sflag:s2] =	stream.linear.gather [hbm4b:s16+s1], $0x80, $0x38;
	[tilespmem:$0x19000] =	vst v63  }
0x60: {  	s19 =	sadd.s32 $0x700, s13;
	s20 =	sadd.s32 s12, s26;
	s8 =	sand.u32 $0x1FFFFFF0, s18  }
0x61: {  	[tilespmem:s19], [sflag:s2] =	stream.linear.gather [hbm4b:s20+s1], $0x80, $0x38;
	[tilespmem:$0x19000] =	vst v63  }
0x62: {  	s21 =	sadd.s32 $0x780, s13;
	s22 =	sadd.s32 s12, s8  }
0x63: {  	[tilespmem:s21], [sflag:s2] =	stream.linear.gather [hbm4b:s22+s1], $0x80, $0x38;
	[tilespmem:$0x19000] =	vst v63  }
0x64: {  	v0 =	vld [tilespmem:s17+$0x0];
	_ =	sdelay $0x4  }
0x65: {  	v1 =	vsel vm2, $0x0, v0  }
0x66: {  	v5 =	vsel vm1, $0x0, v0;
	(xrf0) =	vadd.scan.msk.s32 $0xffff, v1  }
0x67: {  	v4 =	vnsel vm0, $0x0, v0;
	(xrf0) =	vadd.scan.msk.s32 $0xffff, v5  }
0x68: {  	(xrf0) =	vadd.scan.msk.s32 $0xffff, v4  }
0x69: {  	v53 =	vsel vm6, $0x0, v0  }
0x6a: {  	v54 =	vsel vm7, $0x0, v0;
	(xrf0) =	vadd.scan.msk.s32 $0xffff, v53  }
0x6b: {  	v55 =	vsel vm14, $0x0, v0;
	(xrf0) =	vadd.scan.msk.s32 $0xffff, v54  }
0x6c: {  	v11 =	vsel vm5, $0x0, v0;
	(xrf0) =	vadd.scan.msk.s32 $0xffff, v55;
	v10, _, _ =	vpop (xrf0)  }
0x6d: {  	v2 =	vsel vm3, $0x0, v0;
	v12 =	vsel vm4, $0x0, v0;
	(xrf0) =	vadd.scan.msk.s32 $0xffff, v11;
	v56, _, _ =	vpop (xrf0);
	(v2sf) =	vpush v10, $0xF  }
0x6e: {  	v1 =	vsel vm8, $0x0, v0;
	(xrf0) =	vadd.scan.msk.s32 $0xffff, v12;
	v57, _, _ =	vpop (xrf0);
	(v2sf) =	vpush v56, $0xF  }
0x6f: {  	(v2sf) =	vpush v57, $0xF  }
0x70: {  	v3 =	vsel vm12, $0x0, v0;
	v6 =	vsel vm13, $0x0, v0;
	(xrf0) =	vadd.scan.msk.s32 $0xffff, v2;
	v2, _, _ =	vpop (xrf0)  }
0x71: {  	v7 =	vsel vm9, $0x0, v0;
	v8 =	vsel vm15, $0x0, v0;
	(xrf0) =	vadd.scan.msk.s32 $0xffff, v1;
	(v2sf) =	vpush v2, $0xF;
	v1, _, _ =	vpop (xrf0)  }
0x72: {  	v9 =	vsel vm10, $0x0, v0;
	v58 =	vsel vm11, $0x0, v0;
	(v2sf) =	vpush v1, $0xF;
	v0, _, _ =	vpop (xrf0)  }
0x73: {  	v1, _, _ =	vpop (xrf0)  }
0x74: {  	v2, _, _ =	vpop (xrf0)  }
0x75: {  	(v2sf) =	vpush v2, $0xF  }
0x76: {  	s23 =	smov.u32 s14  }
0x77: {  	s24 =	rddreg [dreg:$0x3];
	s5 =	sshra.s32 s23, $0x2;
	(xrf0) =	vadd.scan.msk.s32 $0xffff, v58  }
0x78: {  	s13 =	sadd.s32 s5, s24;
	(xrf0) =	vadd.scan.msk.s32 $0xffff, v7  }
0x79: {  	p0 =	sne.s32 s14, $0xE000;
	s14 =	sadd.s32 $0x2000, s14;
	s18 =	sadd.s32 $0x80, s13;
	(xrf0) =	vadd.scan.msk.s32 $0xffff, v9  }
0x7a: {  	s11 =	sadd.s32 $0x100, s13;
	s10 =	sadd.s32 $0x280, s13;
	s5 =	sadd.s32 $0x200, s13;
	(xrf0) =	vadd.scan.msk.s32 $0xffff, v6  }
0x7b: {  	s6 =	sadd.s32 $0x600, s13;
	s9 =	sadd.s32 $0x500, s13;
	s8 =	sadd.s32 $0x580, s13;
	v59, _, _ =	vpop (xrf0);
	(xrf0) =	vadd.scan.msk.s32 $0xffff, v3  }
0x7c: {  	s15 =	sadd.s32 $0x180, s13;
	s16 =	sadd.s32 $0x480, s13;
	v3, _, _ =	vpop (xrf0);
	s25 =	spop (v2sf)  }
0x7d: {  	s19 =	sadd.s32 $0x380, s13;
	s21 =	sadd.s32 $0x300, s13;
	v60, _, _ =	vpop (xrf0);
	s23 =	spop (v2sf)  }
0x7e: {  	s17 =	sadd.s32 $0x10, s17;
	v61, _, _ =	vpop (xrf0);
	s26 =	sshll.u32 s25, $0x4;
	s24 =	spop (v2sf)  }
0x7f: {  	(xrf0) =	vadd.scan.msk.s32 $0xffff, v8;
	(v2sf) =	vpush v59, $0xF;
	v62, _, _ =	vpop (xrf0);
	s22 =	sshll.u32 s23, $0x4;
	s23 =	sand.u32 $0x1FFFFFF0, s26;
	s20 =	sshll.u32 s24, $0x4  }
0x80: {  	(v2sf) =	vpush v1, $0xF;
	v2, _, _ =	vpop (xrf0);
	s24 =	sand.u32 $0x1FFFFFF0, s22;
	s25 =	spop (v2sf);
	s20 =	sand.u32 $0x1FFFFFF0, s20  }
.Ltmp0:
0x81: {  	(v2sf) =	vpush v60, $0xF;
	v63, _, _ =	vpop (xrf0);
	s22 =	sshll.u32 s25, $0x4;
	s26 =	spop (v2sf);
	(pc) =	sbr.rel @p0 .LBB2_3-.Ltmp0, $4  }
0x82: {  	(v2sf) =	vpush v63, $0xF;
	s20 =	sadd.s32 s12, s20;
	s22 =	sand.u32 $0x1FFFFFF0, s22;
	s25 =	sshll.u32 s26, $0x4  }
0x83: {  	(v2sf) =	vpush v3, $0xF;
	[tilespmem:s13], [sflag:s2] =	stream.linear.gather [hbm4b:s20+s1], $0x80, $0x38;
	[tilespmem:$0x19000] =	vst v63  }
0x84: {  	(v2sf) =	vpush v61, $0xF;
	s26 =	sadd.s32 s12, s24;
	s20 =	sand.u32 $0x1FFFFFF0, s25;
	s24 =	spop (v2sf)  }
0x85: {  	v1, _, _ =	vpop (xrf0);
	(v2sf) =	vpush v62, $0xF;
	[tilespmem:s18], [sflag:s2] =	stream.linear.gather [hbm4b:s26+s1], $0x80, $0x38;
	[tilespmem:$0x19000] =	vst v63  }
0x86: {  	_ =	sdelay $0x5  }
0x87: {  	s23 =	sadd.s32 s12, s23  }
0x88: {  	[tilespmem:s11], [sflag:s2] =	stream.linear.gather [hbm4b:s23+s1], $0x80, $0x38;
	[tilespmem:$0x19000] =	vst v63  }
0x89: {  	s17 =	sshll.u32 s24, $0x4;
	s18 =	sadd.s32 $0x400, s13;
	s14 =	spop (v2sf)  }
0x8a: {  	p0 =	slt.u32 s0, $0x3;
	s23 =	sand.u32 $0x1FFFFFF0, s17;
	(v2sf) =	vpush v0, $0xF;
	s14 =	sshll.u32 s14, $0x4  }
0x8b: {  	s11 =	sadd.s32 s12, s23;
	s26 =	spop (v2sf);
	s14 =	sand.u32 $0x1FFFFFF0, s14  }
0x8c: {  	(v2sf) =	vpush v2, $0xF;
	s24 =	sshll.u32 s26, $0x4;
	s26 =	spop (v2sf);
	s14 =	sadd.s32 s12, s14  }
0x8d: {  	[tilespmem:s15], [sflag:s2] =	stream.linear.gather [hbm4b:s14+s1], $0x80, $0x38;
	[tilespmem:$0x19000] =	vst v63  }
0x8e: {  	s23 =	sadd.s32 s12, s22;
	s25 =	sand.u32 $0x1FFFFFF0, s24;
	s17 =	sshll.u32 s26, $0x4  }
0x8f: {  	[tilespmem:s5], [sflag:s2] =	stream.linear.gather [hbm4b:s11+s1], $0x80, $0x38;
	[tilespmem:$0x19000] =	vst v63  }
0x90: {  	s14 =	sadd.s32 s12, s25;
	s11 =	spop (v2sf);
	s5 =	sand.u32 $0x1FFFFFF0, s17  }
0x91: {  	(v2sf) =	vpush v1, $0xF;
	[tilespmem:s10], [sflag:s2] =	stream.linear.gather [hbm4b:s14+s1], $0x80, $0x38;
	[tilespmem:$0x19000] =	vst v63  }
0x92: {  	s25 =	sadd.s32 s12, s20;
	s24 =	spop (v2sf);
	s5 =	sadd.s32 s12, s5  }
0x93: {  	[tilespmem:s21], [sflag:s2] =	stream.linear.gather [hbm4b:s23+s1], $0x80, $0x38;
	[tilespmem:$0x19000] =	vst v63  }
0x94: {  	s14 =	sshll.u32 s24, $0x4;
	s26 =	spop (v2sf);
	s24 =	sshll.u32 s11, $0x4  }
0x95: {  	[tilespmem:s19], [sflag:s2] =	stream.linear.gather [hbm4b:s25+s1], $0x80, $0x38;
	[tilespmem:$0x19000] =	vst v63  }
0x96: {  	s17 =	sand.u32 $0x1FFFFFF0, s14;
	s20 =	spop (v2sf);
	s19 =	sshll.u32 s26, $0x4  }
0x97: {  	s10 =	sadd.s32 s12, s17;
	s15 =	sshll.u32 s20, $0x4;
	s14 =	sand.u32 $0x1FFFFFF0, s19  }
0x98: {  	[tilespmem:s18], [sflag:s2] =	stream.linear.gather [hbm4b:s10+s1], $0x80, $0x38;
	[tilespmem:$0x19000] =	vst v63  }
0x99: {  	s22 =	sand.u32 $0x1FFFFFF0, s15;
	s21 =	sadd.s32 s12, s14;
	s23 =	spop (v2sf)  }
0x9a: {  	[tilespmem:s16], [sflag:s2] =	stream.linear.gather [hbm4b:s21+s1], $0x80, $0x38;
	[tilespmem:$0x19000] =	vst v63  }
0x9b: {  	s20 =	sadd.s32 $0x680, s13;
	s25 =	sadd.s32 s12, s22;
	s26 =	spop (v2sf)  }
0x9c: {  	s16 =	sand.u32 $0x1FFFFFF0, s24;
	s22 =	sshll.u32 s23, $0x4;
	s17 =	sshll.u32 s26, $0x4  }
0x9d: {  	[tilespmem:s9], [sflag:s2] =	stream.linear.gather [hbm4b:s25+s1], $0x80, $0x38;
	[tilespmem:$0x19000] =	vst v63  }
0x9e: {  	s24 =	sadd.s32 $0x700, s13;
	s18 =	sadd.s32 s12, s16;
	s19 =	sand.u32 $0x1FFFFFF0, s17  }
0x9f: {  	[tilespmem:s8], [sflag:s2] =	stream.linear.gather [hbm4b:s5+s1], $0x80, $0x38;
	[tilespmem:$0x19000] =	vst v63  }
0xa0: {  	s23 =	spop (v2sf);
	s21 =	sadd.s32 s12, s19;
	s8 =	sadd.s32 @!p0 $0xFFFFFFFD, s0  }
0xa1: {  	[tilespmem:s6], [sflag:s2] =	stream.linear.gather [hbm4b:s18+s1], $0x80, $0x38;
	[tilespmem:$0x19000] =	vst v63  }
0xa2: {  	s5 =	sand.u32 $0x1FFFFFF0, s22;
	s10 =	smulhi.u32 @!p0 $0xAAAAAAAB, s8;
	s6 =	sshll.u32 s23, $0x4  }
0xa3: {  	[tilespmem:s20], [sflag:s2] =	stream.linear.gather [hbm4b:s21+s1], $0x80, $0x38;
	[tilespmem:$0x19000] =	vst v63  }
0xa4: {  	s5 =	sadd.s32 s12, s5;
	s25 =	sand.u32 $0x1FFFFFF0, s6;
	s6 =	sshrl.u32 @!p0 s10, $0x2  }
0xa5: {  	[tilespmem:s24], [sflag:s2] =	stream.linear.gather [hbm4b:s5+s1], $0x80, $0x38;
	[tilespmem:$0x19000] =	vst v63  }
0xa6: {  	s26 =	sadd.s32 $0x780, s13;
	s6 =	smul.u32 @!p0 $0x6, s6;
	s5 =	sadd.s32 s12, s25  }
0xa7: {  	[tilespmem:s26], [sflag:s2] =	stream.linear.gather [hbm4b:s5+s1], $0x80, $0x38;
	[tilespmem:$0x19000] =	vst v63  }
0xa8: {  	s2 =	ssub.s32 @!p0 s8, s6  }
0xa9: {  	s5 =	sadd.s32 @!p0 $0x1, s2  }
0xaa: {  	_ =	swait.ge @!p0 [sflag:s5], $0x4000  }
0xab: {  	s6 =	sshll.u32 @!p0 s8, $0x13;
	[sflag:s5] =	ssyncset.done @!p0 $0x0  }
0xac: {  	s0 =	sadd.s32 $0x1, s0;
	[sflag:s5] =	ssyncadd.s32 @!p0 $0xFFFFC000;
	s5 =	sor.u32 @!p0 s7, s6  }
0xad: {  	s6 =	sadd.s32 @!p0 $0x7, s2;
	s2 =	sshll.u32 @!p0 s2, $0xE;
	s5 =	sshrl.u32 @!p0 s5, $0x3  }
0xae: {  	s8 =	simm.s32 @!p0 $0x0;
	s2 =	sor.u32 @!p0 $0x1000, s2;
	s5 =	sadd.s32 @!p0 s4, s5  }
0xaf: {  	[hbm4b:s5+s8] =	stream.linear.scatter @!p0 [tilespmem:s2], [sflag:s6], $0x4000, $0x38;
	[tilespmem:$0x19000] =	vst v63  }
0xb0: {  	p0 =	sne.s32 s0, $0x1A  }
.Ltmp1:
0xb1: {  	_ = 	snop;
	(pc) =	sbr.rel @p0 .LBB2_2-.Ltmp1, $2  }
0xb2: {  	_ =	sdelay $0x2  }
0xb3: {  	s31 =	sadd.s32 $0x4000, s31;
	s30 =	sadd.s32 $0x80, s30  }
0xb4: {  	s0 =	simm.s32 $0x6  }
0xb5: {  	_ =	swait.ge [sflag:s0], $0x4000  }
0xb6: {  	s2 =	simm.s32 $0x15000;
	[sflag:s0] =	ssyncset.done $0x0  }
0xb7: {  	s17 =	simm.s32 $0x1;
	s16 =	rddreg [dreg:$0x7];
	[sflag:s0] =	ssyncadd.s32 $0xFFFFC000  }
0xb8: {  	[hbm4b:s16+s1] =	stream.linear.scatter [tilespmem:s2], [sflag:$0xC], $0x4000, $0x38;
	[tilespmem:$0x19000] =	vst v63  }
0xb9: {  	_ =	swait.ge [sflag:s17], $0x4000  }
0xba: {  	s19 =	simm.s32 $0x1000;
	[sflag:s17] =	ssyncset.done $0x0  }
0xbb: {  	s20 =	simm.s32 $0x2;
	s18 =	rddreg [dreg:$0x8];
	[sflag:s17] =	ssyncadd.s32 $0xFFFFC000  }
0xbc: {  	[hbm4b:s18+s1] =	stream.linear.scatter [tilespmem:s19], [sflag:$0x7], $0x4000, $0x38;
	[tilespmem:$0x19000] =	vst v63  }
0xbd: {  	_ =	swait.ge [sflag:s20], $0x4000  }
0xbe: {  	s22 =	simm.s32 $0x5000;
	[sflag:s20] =	ssyncset.done $0x0  }
0xbf: {  	s23 =	simm.s32 $0x9;
	s21 =	rddreg [dreg:$0x9];
	[sflag:s20] =	ssyncadd.s32 $0xFFFFC000  }
0xc0: {  	[hbm4b:s21+s1] =	stream.linear.scatter [tilespmem:s22], [sflag:$0x8], $0x4000, $0x38;
	[tilespmem:$0x19000] =	vst v63  }
0xc1: {  	_ =	swait.ge [sflag:s23], $0x4000  }
0xc2: {  	[sflag:s23] =	ssyncset.done $0x0  }
0xc3: {  	s24 =	simm.s32 $0xA;
	[sflag:s23] =	ssyncadd.s32 $0xFFFFC000  }
0xc4: {  	_ =	swait.ge [sflag:s24], $0x4000  }
0xc5: {  	[sflag:s24] =	ssyncset.done $0x0  }
0xc6: {  	s25 =	simm.s32 $0xB;
	[sflag:s24] =	ssyncadd.s32 $0xFFFFC000  }
0xc7: {  	_ =	swait.ge [sflag:s25], $0x4000  }
0xc8: {  	[sflag:s25] =	ssyncset.done $0x0  }
0xc9: {  	s26 =	simm.s32 $0xC;
	[sflag:s25] =	ssyncadd.s32 $0xFFFFC000  }
0xca: {  	_ =	swait.ge [sflag:s26], $0x4000  }
0xcb: {  	[sflag:s26] =	ssyncset.done $0x0  }
0xcc: {  	s30 =	simm.s32 $0x7;
	[sflag:s26] =	ssyncadd.s32 $0xFFFFC000  }
0xcd: {  	_ =	swait.ge [sflag:s30], $0x4000  }
0xce: {  	[sflag:s30] =	ssyncset.done $0x0  }
0xcf: {  	[sflag:s30] =	ssyncadd.s32 $0xFFFFC000  }
0xd0: {  	_ =	swait.ge [sflag:s28], $0x4000  }
0xd1: {  	s29 =	sadd.s32 $0x1, s29;
	s31 =	rddreg [dreg:$0x6]  }
0xd2: {  	p0 =	sne.s32 s29, s31  }
.Ltmp2:
0xd3: {  	_ = 	snop;
	(pc) =	sbr.rel @p0 .LBB2_1-.Ltmp2, $3  }
0xd4: {  	_ =	sdelay $0x1  }
0xd5: {  	[sflag:s28] =	ssyncset.done $0x0  }
0xd6: {  	[sflag:s28] =	ssyncadd.s32 $0xFFFFC000  }
0xd7: {  	_ =	sfence.sel $0x180000  }
0xd8: {  	[bflag:$0x0] =	sbarrier.arrive $0xFFFF  }
0xd9: {  	_ =	strace $0x90000047  }
0xda: {  	s0 =	stileid.u32;
	[bflag:$0x2] =	sbarrier.arrive $0xFFFF  }
0xdb: {  	p0 =	sne.s32 s0, $0x0;
	s0 =	rddreg [dreg:$0x2]  }
0xdc: {  	s0 =	sadd.s32 @!p0 $0x100000, s0  }
0xdd: {  	[sflag:s0] =	ssyncadd.tile.s32 @!p0 $0x1;
	_ =	shalt  }
.Lfunc_end2:
_tile_overlayer_lowered:
.L_overlay_start_2:
0xde: {  	(tag) =	ssettag $0x2  }
0xdf: {  	s0 =	rddreg [dreg:$0x0];
	s2 =	stileid.u32  }
0xe0: {  	s1 =	rddreg [dreg:$0x1];
	p0 =	sne.s32 s2, $0x0  }
0xe1: {  	s3 =	rddreg [dreg:$0x2];
	[bflag:$0x3] =	sbarrier.arrive $0xFFFF;
	s2 =	simm.s32 @!p0 $0x1C0D  }
0xe2: {  	[timem:s3], [sflag:s2] =	dma.local @!p0 [hbm:s0], s1  }
0xe3: {  	s0 =	simm.s32 @!p0 $0xD  }
0xe4: {  	_ =	swait.ge @!p0 [sflag:s0], s1  }
0xe5: {  	s1 =	ssub.s32 @!p0 $0x0, s1;
	[sflag:s0] =	ssyncset.done @!p0 $0x0  }
0xe6: {  	[sflag:s0] =	ssyncadd.s32 @!p0 s1  }
0xe7: {  	[bflag:$0x3] =	sbarrier.arrive $0xFFFF  }
0xe8: {  	_ =	shalt  }

</sc_bundles>
